<compile_context>
chip_gen: v7x
topology: tpu7x:2x2x1
jax: 0.10.2.dev20260603
libtpu: 0.0.44.dev20260713+nightly
codegen_flags: <defaults>
</compile_context>

<pallas_src>
import functools

import jax
import jax.numpy as jnp
from jax import lax
from jax.experimental import pallas as pl
from jax.experimental.pallas import tpu as pltpu
from jax.experimental.pallas import tpu_sc as plsc

N_CELLS_ = 1024
N_REGIONS_ = 2048
N_CLUSTERS_ = 32
N_FRAGMENTS_ = 8388608
N_BINS = N_CELLS_ * N_REGIONS_

NC = 2
NS = 16
L = 16

BINS_PER_SC = N_BINS // NC
BINS_PER_TILE = BINS_PER_SC // NS
PAD = 2048
FRAG_PER_TILE = N_FRAGMENTS_ // NS
CHUNK = 8192
N_CHUNKS = FRAG_PER_TILE // CHUNK
ZB = 8192


def _sc_body(idx_hbm, regions_hbm, cells_hbm, base_tbl, delta_flat, lib_tbl,
             count_out, base_out, lib_out, delta_outT,
             zbuf, idx_a, idx_b, lidx_a, lidx_b, ones_v, aux_idx, aux_ridx,
             aux_f, shared, sem, sem_ld, sem_sc):
    c = lax.axis_index("c")
    s = lax.axis_index("s")

    def _fill_z(i, _):
        zbuf[pl.ds(i * L, L)] = jnp.zeros((L,), jnp.float32)
        return 0
    lax.fori_loop(0, zbuf.shape[0] // L, _fill_z, 0)

    def _fill_o(i, _):
        ones_v[pl.ds(i * L, L)] = jnp.ones((L,), jnp.float32)
        return 0
    lax.fori_loop(0, CHUNK // L, _fill_o, 0)

    def _zero(z, _):
        pltpu.sync_copy(zbuf, shared.at[pl.ds(PAD + s * BINS_PER_TILE + z * ZB,
                                              ZB)])
        return 0
    lax.fori_loop(0, BINS_PER_TILE // ZB, _zero, 0)

    @pl.when(c == 0)
    def _():
        pltpu.sync_copy(regions_hbm.at[pl.ds(s * 128, 128)], aux_idx)
        pltpu.async_copy(base_tbl.at[aux_idx], aux_f.at[0], sem).wait()
        pltpu.sync_copy(aux_f.at[0], base_out.at[pl.ds(s * 128, 128)])

    @pl.when(jnp.logical_and(c == 0, s < 8))
    def _():
        pltpu.sync_copy(cells_hbm.at[pl.ds(s * 128, 128)], aux_idx)
        pltpu.async_copy(lib_tbl.at[aux_idx], aux_f.at[0], sem).wait()
        pltpu.sync_copy(aux_f.at[0], lib_out.at[pl.ds(s * 128, 128)])

    @pl.when(c == 1)
    def _():
        pltpu.sync_copy(regions_hbm.at[pl.ds(s * 128, 128)], aux_ridx)

        def _dcol(j, _):
            def _cidx(t, _):
                v = aux_ridx[pl.ds(t * L, L)]
                aux_idx[pl.ds(t * L, L)] = v * N_CLUSTERS_ + j
                return 0
            lax.fori_loop(0, 128 // L, _cidx, 0, unroll=True)
            pltpu.async_copy(delta_flat.at[aux_idx], aux_f.at[0], sem).wait()
            pltpu.sync_copy(aux_f,
                            delta_outT.at[pl.ds(j, 1), pl.ds(s * 128, 128)])
            return 0
        lax.fori_loop(0, N_CLUSTERS_, _dcol, 0)

    plsc.subcore_barrier()

    k_off = c * BINS_PER_SC - PAD
    top = PAD + BINS_PER_SC
    base = s * FRAG_PER_TILE

    def _load(i, buf):
        pltpu.async_copy(idx_hbm.at[pl.ds(base + i * CHUNK, CHUNK)], buf,
                         sem_ld)

    def _wait_load(i, buf):
        pltpu.make_async_copy(idx_hbm.at[pl.ds(base + i * CHUNK, CHUNK)], buf,
                              sem_ld).wait()

    def _process(i2, idx_v, lidx2):
        @pl.when(i2 > 0)
        def _():
            pltpu.make_async_copy(ones_v, shared.at[lidx2], sem_sc).wait()

        def _col(jj, _):
            v = idx_v[pl.ds(jj * L, L)]
            w = v - k_off
            t = v & (PAD - 1)
            w = jnp.where(w < PAD, t, w)
            w = jnp.where(w >= top, top + t, w)
            lidx2[pl.ds(jj * L, L)] = w
            return 0
        lax.fori_loop(0, CHUNK // L, _col, 0, unroll=8)
        pltpu.async_copy(ones_v, shared.at[lidx2], sem_sc, add=True)

    _load(0, idx_a)

    def _pair(i2, _):
        _load(2 * i2 + 1, idx_b)
        _wait_load(2 * i2, idx_a)
        _process(i2, idx_a, lidx_a)

        @pl.when(i2 < N_CHUNKS // 2 - 1)
        def _():
            _load(2 * i2 + 2, idx_a)
        _wait_load(2 * i2 + 1, idx_b)
        _process(i2, idx_b, lidx_b)
        return 0
    lax.fori_loop(0, N_CHUNKS // 2, _pair, 0)

    pltpu.make_async_copy(ones_v, shared.at[lidx_a], sem_sc).wait()
    pltpu.make_async_copy(ones_v, shared.at[lidx_b], sem_sc).wait()

    plsc.subcore_barrier()

    pltpu.sync_copy(shared.at[pl.ds(PAD + s * BINS_PER_TILE, BINS_PER_TILE)],
                    count_out.at[pl.ds(c * BINS_PER_SC + s * BINS_PER_TILE,
                                       BINS_PER_TILE)])


_sc_call = functools.partial(
    pl.kernel,
    out_type=(
        jax.ShapeDtypeStruct((N_BINS,), jnp.float32),
        jax.ShapeDtypeStruct((N_REGIONS_,), jnp.float32),
        jax.ShapeDtypeStruct((N_CELLS_,), jnp.float32),
        jax.ShapeDtypeStruct((N_CLUSTERS_, N_REGIONS_), jnp.float32),
    ),
    mesh=plsc.VectorSubcoreMesh(core_axis_name="c", subcore_axis_name="s",
                                num_cores=NC, num_subcores=NS),
    scratch_types=[
        pltpu.VMEM((ZB,), jnp.float32),
        pltpu.VMEM((CHUNK,), jnp.int32),
        pltpu.VMEM((CHUNK,), jnp.int32),
        pltpu.VMEM((CHUNK,), jnp.int32),
        pltpu.VMEM((CHUNK,), jnp.int32),
        pltpu.VMEM((CHUNK,), jnp.float32),
        pltpu.VMEM((128,), jnp.int32),
        pltpu.VMEM((128,), jnp.int32),
        pltpu.VMEM((1, 128), jnp.float32),
        pltpu.VMEM_SHARED((BINS_PER_SC + 2 * PAD,), jnp.float32),
        pltpu.SemaphoreType.DMA,
        pltpu.SemaphoreType.DMA,
        pltpu.SemaphoreType.DMA,
    ],
    compiler_params=pltpu.CompilerParams(use_tc_tiling_on_sc=False),
)(_sc_body)


_LOG_FACT = (0.0, 0.0, 0.6931471805599453, 1.791759469228055,
             3.1780538303479458, 4.787491742782046, 6.579251212010101,
             8.525161361065415)


def _tc_body(count_ref, labels_ref, lib_ref, base_ref, delta_ref, out_ref):
    count = count_ref[...].reshape(-1, N_REGIONS_)
    labels = labels_ref[...]
    onehot = (lax.broadcasted_iota(jnp.int32, (labels.shape[0], N_CLUSTERS_), 1)
              == labels).astype(jnp.float32)
    delta_cl = lax.dot_general(onehot, delta_ref[...],
                               (((1,), (0,)), ((), ())),
                               preferred_element_type=jnp.float32)
    logits = delta_cl + base_ref[...] + lib_ref[...]
    rate = jnp.exp(logits)
    x = jnp.maximum(count, 8.0) + 1.0
    inv = 1.0 / x
    lg = ((x - 0.5) * jnp.log(x) - x + 0.9189385332046727
          + inv * (1.0 / 12.0 - (1.0 / 360.0) * inv * inv))
    for kk in range(7, -1, -1):
        lg = jnp.where(count <= kk + 0.5, _LOG_FACT[kk], lg)
    out_ref[...] = count * logits - rate - lg


def kernel(local_cellxregion_ix, cells_oi, regions_oi, labels,
           baseline_weight, delta_logit_weight, lib):
    count_flat, base_sel, lib_sel, delta_selT = _sc_call(
        local_cellxregion_ix, regions_oi, cells_oi,
        baseline_weight.reshape(-1), delta_logit_weight.reshape(-1), lib)

    bc = 128
    grid = N_CELLS_ // bc
    out = pl.pallas_call(
        _tc_body,
        grid=(grid,),
        in_specs=[
            pl.BlockSpec((bc * N_REGIONS_,), lambda i: (i,)),
            pl.BlockSpec((bc, 1), lambda i: (i, 0)),
            pl.BlockSpec((bc, 1), lambda i: (i, 0)),
            pl.BlockSpec((1, N_REGIONS_), lambda i: (0, 0)),
            pl.BlockSpec((N_CLUSTERS_, N_REGIONS_), lambda i: (0, 0)),
        ],
        out_specs=pl.BlockSpec((bc, N_REGIONS_), lambda i: (i, 0)),
        out_shape=jax.ShapeDtypeStruct((N_CELLS_, N_REGIONS_), jnp.float32),
    )(count_flat,
      labels.reshape(N_CELLS_, 1),
      lib_sel.reshape(N_CELLS_, 1),
      base_sel.reshape(1, N_REGIONS_),
      delta_selT)
    return out

# --- scband reference (transcript-rebuilt; emitter-appended) ---
"""Pipeline reference for scband-fragment-count-distribution1-77163382440825 (READ-ONLY COPY).

The authoritative reference and input builder live on the scoring server;
editing this copy changes nothing except your own understanding.
"""

import jax, jax.numpy as jnp
import numpy as np

N_CELLS = 1024
N_REGIONS = 2048
N_CELLS_TOTAL = 100000
N_REGIONS_TOTAL = 20000
N_CLUSTERS = 32
N_FRAGMENTS = 8388608


def setup_inputs(seed: int = 0) -> dict:
    key = jax.random.key(seed)
    ks = jax.random.split(key, 7)
    return {
        "local_cellxregion_ix": jax.random.randint(ks[0], (N_FRAGMENTS,), 0, N_CELLS * N_REGIONS, dtype=jnp.int64) if jax.config.jax_enable_x64 else jax.random.randint(ks[0], (N_FRAGMENTS,), 0, N_CELLS * N_REGIONS, dtype=jnp.int32),
        "cells_oi": jax.random.randint(ks[1], (N_CELLS,), 0, N_CELLS_TOTAL, dtype=jnp.int32),
        "regions_oi": jax.random.randint(ks[2], (N_REGIONS,), 0, N_REGIONS_TOTAL, dtype=jnp.int32),
        "labels": jax.random.randint(ks[3], (N_CELLS,), 0, N_CLUSTERS, dtype=jnp.int32),
        "baseline_weight": jax.random.normal(ks[4], (N_REGIONS_TOTAL, 1), dtype=jnp.float32),
        "delta_logit_weight": 0.1 * jax.random.normal(ks[5], (N_REGIONS_TOTAL, N_CLUSTERS), dtype=jnp.float32),
        "lib": jax.random.normal(ks[6], (N_CELLS_TOTAL,), dtype=jnp.float32),
    }


def reference(local_cellxregion_ix, cells_oi, regions_oi, labels, baseline_weight, delta_logit_weight, lib):
    # count_fragments: scatter-add fragments into cell x region bins
    count = jnp.bincount(local_cellxregion_ix, length=N_CELLS * N_REGIONS)
    count = count.reshape((N_CELLS, N_REGIONS)).astype(jnp.float32)
    # baseline(regions_oi).squeeze(1).unsqueeze(0) -> [1, R]
    baseline = jnp.take(baseline_weight, regions_oi, axis=0).squeeze(1)  # [R]
    # lib[cells_oi].unsqueeze(1) -> [C, 1]
    lib_sel = jnp.take(lib, cells_oi, axis=0)  # [C]
    # delta_logit(regions_oi)[:, labels].T -> [C, R]
    delta = jnp.take(delta_logit_weight, regions_oi, axis=0)  # [R, K]
    delta_cl = jnp.take(delta, labels, axis=1).T  # [C, R]
    logits = baseline[None, :] + lib_sel[:, None] + delta_cl  # [C, R]
    rate = jnp.exp(logits)
    # Poisson log_prob: k*log(rate) - rate - lgamma(k+1)
    likelihood_count = count * logits - rate - jax.lax.lgamma(count + 1.0)
    return likelihood_count

if __name__ == "__main__":
    import jax
    _d = setup_inputs()
    print(jax.jit(kernel)(*tuple(_d.values())))

</pallas_src>

<mosaic_0001>
#map = affine_map<(d0, d1) -> (0)>
#map1 = affine_map<(d0, d1) -> (0, 0)>
module attributes {stable_mosaic.version = 14 : i64} {
  func.func @_sc_body(%arg0: i32, %arg1: i32, %arg2: memref<8388608xi32, #tpu.memory_space<hbm>>, %arg3: memref<2048xi32, #tpu.memory_space<hbm>>, %arg4: memref<1024xi32, #tpu.memory_space<hbm>>, %arg5: memref<20000xf32, #tpu.memory_space<hbm>>, %arg6: memref<640000xf32, #tpu.memory_space<hbm>>, %arg7: memref<100000xf32, #tpu.memory_space<hbm>>, %arg8: memref<2097152xf32, #tpu.memory_space<hbm>>, %arg9: memref<2048xf32, #tpu.memory_space<hbm>>, %arg10: memref<1024xf32, #tpu.memory_space<hbm>>, %arg11: memref<32x2048xf32, #tpu.memory_space<hbm>>, %arg12: memref<8192xf32, #tpu.memory_space<vmem>>, %arg13: memref<8192xi32, #tpu.memory_space<vmem>>, %arg14: memref<8192xi32, #tpu.memory_space<vmem>>, %arg15: memref<8192xi32, #tpu.memory_space<vmem>>, %arg16: memref<8192xi32, #tpu.memory_space<vmem>>, %arg17: memref<8192xf32, #tpu.memory_space<vmem>>, %arg18: memref<128xi32, #tpu.memory_space<vmem>>, %arg19: memref<128xi32, #tpu.memory_space<vmem>>, %arg20: memref<1x128xf32, #tpu.memory_space<vmem>>, %arg21: memref<1052672xf32, #tpu.memory_space<vmem_shared>>, %arg22: memref<!tpu.dma_semaphore, #tpu.memory_space<semaphore_mem>>, %arg23: memref<!tpu.dma_semaphore, #tpu.memory_space<semaphore_mem>>, %arg24: memref<!tpu.dma_semaphore, #tpu.memory_space<semaphore_mem>>) attributes {dimension_semantics = [#tpu.dimension_semantics<core_parallel>, #tpu.dimension_semantics<subcore_parallel>], iteration_bounds = array<i64: 2, 16>, scalar_prefetch = 0 : i64, scratch_operands = 13 : i64, tpu.core_type = #tpu.core_type<sc_vector_subcore>, window_params = [{transform_indices = #map}, {transform_indices = #map}, {transform_indices = #map}, {transform_indices = #map}, {transform_indices = #map}, {transform_indices = #map}, {transform_indices = #map}, {transform_indices = #map}, {transform_indices = #map}, {transform_indices = #map1}]} {
    %scan3A = arith.constant 0 : i32
    %scan3A_0 = arith.constant 0 : i32
    %scan3A_1 = arith.constant 512 : i32
    %scan3A_2 = arith.addi %scan3A_0, %scan3A_1 : i32
    %scan3A_3 = arith.constant 1 : i32
    %scan3A_4 = scf.for %scan3A_59 = %scan3A_0 to %scan3A_2 step %scan3A_3 iter_args(%scan3A_60 = %scan3A) -> (i32)  : i32 {
      %broadcast_in_dim3A = arith.constant 0.000000e+00 : f32
      %broadcast_in_dim3A_61 = vector.broadcast %broadcast_in_dim3A : f32 to vector<16xf32>
      %mul3A_62 = arith.constant 16 : i32
      %mul3A_63 = arith.muli %scan3A_59, %mul3A_62 : i32
      %swap3A = arith.index_cast %mul3A_63 : i32 to index
      %swap3A_64 = tpu.vector_load %arg12[%swap3A] {strides = array<i32>} : memref<8192xf32, #tpu.memory_space<vmem>>, vector<16xf32>,
      %swap3A_65 = vector.shape_cast %swap3A_64 : vector<16xf32> to vector<16xf32>
      %swap3A_66 = vector.shape_cast %broadcast_in_dim3A_61 : vector<16xf32> to vector<16xf32>
      tpu.vector_store %arg12[%swap3A], %swap3A_66 {strides = array<i32>} : memref<8192xf32, #tpu.memory_space<vmem>>, vector<16xf32>,
      %scan3A_67 = arith.constant 0 : i32
      scf.yield %scan3A_67 : i32
    }
    %scan3A_5 = arith.constant 512 : i32
    %scan3A_6 = arith.constant 0 : i32
    %scan3A_7 = arith.constant 0 : i32
    %scan3A_8 = arith.constant 512 : i32
    %scan3A_9 = arith.addi %scan3A_7, %scan3A_8 : i32
    %scan3A_10 = arith.constant 1 : i32
    %scan3A_11 = scf.for %scan3A_59 = %scan3A_7 to %scan3A_9 step %scan3A_10 iter_args(%scan3A_60 = %scan3A_6) -> (i32)  : i32 {
      %broadcast_in_dim3A = arith.constant 1.000000e+00 : f32
      %broadcast_in_dim3A_61 = vector.broadcast %broadcast_in_dim3A : f32 to vector<16xf32>
      %mul3A_62 = arith.constant 16 : i32
      %mul3A_63 = arith.muli %scan3A_59, %mul3A_62 : i32
      %swap3A = arith.index_cast %mul3A_63 : i32 to index
      %swap3A_64 = tpu.vector_load %arg17[%swap3A] {strides = array<i32>} : memref<8192xf32, #tpu.memory_space<vmem>>, vector<16xf32>,
      %swap3A_65 = vector.shape_cast %swap3A_64 : vector<16xf32> to vector<16xf32>
      %swap3A_66 = vector.shape_cast %broadcast_in_dim3A_61 : vector<16xf32> to vector<16xf32>
      tpu.vector_store %arg17[%swap3A], %swap3A_66 {strides = array<i32>} : memref<8192xf32, #tpu.memory_space<vmem>>, vector<16xf32>,
      %scan3A_67 = arith.constant 0 : i32
      scf.yield %scan3A_67 : i32
    }
    %scan3A_12 = arith.constant 512 : i32
    %scan3A_13 = arith.constant 0 : i32
    %scan3A_14 = arith.constant 0 : i32
    %scan3A_15 = arith.constant 8 : i32
    %scan3A_16 = arith.addi %scan3A_14, %scan3A_15 : i32
    %scan3A_17 = arith.constant 1 : i32
    %scan3A_18 = scf.for %scan3A_59 = %scan3A_14 to %scan3A_16 step %scan3A_17 iter_args(%scan3A_60 = %scan3A_13) -> (i32)  : i32 {
      %mul3A_61 = arith.constant 65536 : i32
      %mul3A_62 = arith.muli %arg1, %mul3A_61 : i32
      %add3A_63 = arith.constant 2048 : i32
      %add3A_64 = arith.addi %add3A_63, %mul3A_62 : i32
      %mul3A_65 = arith.constant 8192 : i32
      %mul3A_66 = arith.muli %scan3A_59, %mul3A_65 : i32
      %add3A_67 = arith.addi %add3A_64, %mul3A_66 : i32
      "tpu.region"() ({
        %run_scoped3A = tpu.sem_alloc : memref<!tpu.dma_semaphore, #tpu.memory_space<semaphore_mem>>
        %dma_start3A_69 = tpu.memref_slice %arg21[%add3A_67] : memref<1052672xf32, #tpu.memory_space<vmem_shared>> -> memref<8192xf32, #tpu.memory_space<vmem_shared>>
        %dma_start3A_70 = tpu.memref_slice %arg21[%add3A_67] : memref<1052672xf32, #tpu.memory_space<vmem_shared>> -> memref<8192xf32, #tpu.memory_space<vmem_shared>>
        tpu.enqueue_dma source(%arg12 : memref<8192xf32, #tpu.memory_space<vmem>>) target(%dma_start3A_70 : memref<8192xf32, #tpu.memory_space<vmem_shared>>) target_semaphore(%run_scoped3A : memref<!tpu.dma_semaphore, #tpu.memory_space<semaphore_mem>>)
        %dma_wait3A_71 = tpu.memref_slice %arg21[%add3A_67] : memref<1052672xf32, #tpu.memory_space<vmem_shared>> -> memref<8192xf32, #tpu.memory_space<vmem_shared>>
        %dma_wait3A_72 = tpu.memref_slice %arg21[%add3A_67] : memref<1052672xf32, #tpu.memory_space<vmem_shared>> -> memref<8192xf32, #tpu.memory_space<vmem_shared>>
        tpu.wait_dma2 semaphore(%run_scoped3A : memref<!tpu.dma_semaphore, #tpu.memory_space<semaphore_mem>>) src(%arg12 : memref<8192xf32, #tpu.memory_space<vmem>>) dst(%dma_wait3A_72 : memref<8192xf32, #tpu.memory_space<vmem_shared>>)
        tpu.yield
      }) : () -> ()
      %scan3A_68 = arith.constant 0 : i32
      scf.yield %scan3A_68 : i32
    }
    %scan3A_19 = arith.constant 8 : i32
    %eq3A = arith.constant 0 : i32
    %eq3A_20 = arith.cmpi eq, %arg0, %eq3A : i32
    %convert_element_type3A = arith.extui %eq3A_20 : i1 to i32
    %cond3A = arith.constant 0 : i32
    %cond3A_21 = arith.cmpi ne, %convert_element_type3A, %cond3A : i32
    scf.if %cond3A_21 {
      %mul3A_59 = arith.constant 128 : i32
      %mul3A_60 = arith.muli %arg1, %mul3A_59 : i32
      "tpu.region"() ({
        %run_scoped3A_75 = tpu.sem_alloc : memref<!tpu.dma_semaphore, #tpu.memory_space<semaphore_mem>>
        %dma_start3A_76 = tpu.memref_slice %arg3[%mul3A_60] : memref<2048xi32, #tpu.memory_space<hbm>> -> memref<128xi32, #tpu.memory_space<hbm>>
        %dma_start3A_77 = tpu.memref_slice %arg3[%mul3A_60] : memref<2048xi32, #tpu.memory_space<hbm>> -> memref<128xi32, #tpu.memory_space<hbm>>
        tpu.enqueue_dma source(%dma_start3A_77 : memref<128xi32, #tpu.memory_space<hbm>>) target(%arg18 : memref<128xi32, #tpu.memory_space<vmem>>) target_semaphore(%run_scoped3A_75 : memref<!tpu.dma_semaphore, #tpu.memory_space<semaphore_mem>>)
        %dma_wait3A_78 = tpu.memref_slice %arg3[%mul3A_60] : memref<2048xi32, #tpu.memory_space<hbm>> -> memref<128xi32, #tpu.memory_space<hbm>>
        %dma_wait3A_79 = tpu.memref_slice %arg3[%mul3A_60] : memref<2048xi32, #tpu.memory_space<hbm>> -> memref<128xi32, #tpu.memory_space<hbm>>
        tpu.wait_dma2 semaphore(%run_scoped3A_75 : memref<!tpu.dma_semaphore, #tpu.memory_space<semaphore_mem>>) src(%dma_wait3A_79 : memref<128xi32, #tpu.memory_space<hbm>>) dst(%arg18 : memref<128xi32, #tpu.memory_space<vmem>>)
        tpu.yield
      }) : () -> ()
      %dma_start3A_61 = arith.constant 0 : i32
      %dma_start3A_62 = arith.constant 0 : i32
      %dma_start3A_63 = tpu.memref_slice %arg20[%dma_start3A_61, %dma_start3A_62] : memref<1x128xf32, #tpu.memory_space<vmem>> -> memref<1x128xf32, #tpu.memory_space<vmem>>
      %dma_start3A_64 = tpu.memref_squeeze %dma_start3A_63 : memref<1x128xf32, #tpu.memory_space<vmem>> -> memref<128xf32, #tpu.memory_space<vmem>>
      %dma_start3A_65 = arith.constant 0 : i32
      %dma_start3A_66 = tpu.memref_slice %arg5[%dma_start3A_65] : memref<20000xf32, #tpu.memory_space<hbm>> -> memref<20000xf32, #tpu.memory_space<hbm>>
      tpu.enqueue_indirect_dma source(%dma_start3A_66 : memref<20000xf32, #tpu.memory_space<hbm>>) target(%dma_start3A_64 : memref<128xf32, #tpu.memory_space<vmem>>) offsets(%arg18 : memref<128xi32, #tpu.memory_space<vmem>>) semaphore(%arg22 : memref<!tpu.dma_semaphore, #tpu.memory_space<semaphore_mem>>)
      %dma_wait3A_67 = arith.constant 0 : i32
      %dma_wait3A_68 = arith.constant 0 : i32
      %dma_wait3A_69 = tpu.memref_slice %arg20[%dma_wait3A_67, %dma_wait3A_68] : memref<1x128xf32, #tpu.memory_space<vmem>> -> memref<1x128xf32, #tpu.memory_space<vmem>>
      %dma_wait3A_70 = tpu.memref_squeeze %dma_wait3A_69 : memref<1x128xf32, #tpu.memory_space<vmem>> -> memref<128xf32, #tpu.memory_space<vmem>>
      %dma_wait3A_71 = arith.constant 0 : i32
      %dma_wait3A_72 = tpu.memref_slice %arg5[%dma_wait3A_71] : memref<20000xf32, #tpu.memory_space<hbm>> -> memref<20000xf32, #tpu.memory_space<hbm>>
      tpu.wait_indirect_dma semaphore(%arg22 : memref<!tpu.dma_semaphore, #tpu.memory_space<semaphore_mem>>) src(%dma_wait3A_72 : memref<20000xf32, #tpu.memory_space<hbm>>) dst(%dma_wait3A_70 : memref<128xf32, #tpu.memory_space<vmem>>)
      %mul3A_73 = arith.constant 128 : i32
      %mul3A_74 = arith.muli %arg1, %mul3A_73 : i32
      %run_scoped3A = arith.constant 0 : i32
      "tpu.region"() ({
        %run_scoped3A_75 = tpu.sem_alloc : memref<!tpu.dma_semaphore, #tpu.memory_space<semaphore_mem>>
        %dma_start3A_76 = arith.constant 0 : i32
        %dma_start3A_77 = tpu.memref_slice %arg20[%run_scoped3A, %dma_start3A_76] : memref<1x128xf32, #tpu.memory_space<vmem>> -> memref<1x128xf32, #tpu.memory_space<vmem>>
        %dma_start3A_78 = tpu.memref_squeeze %dma_start3A_77 : memref<1x128xf32, #tpu.memory_space<vmem>> -> memref<128xf32, #tpu.memory_space<vmem>>
        %dma_start3A_79 = tpu.memref_slice %arg9[%mul3A_74] : memref<2048xf32, #tpu.memory_space<hbm>> -> memref<128xf32, #tpu.memory_space<hbm>>
        %dma_start3A_80 = tpu.memref_slice %arg9[%mul3A_74] : memref<2048xf32, #tpu.memory_space<hbm>> -> memref<128xf32, #tpu.memory_space<hbm>>
        %dma_start3A_81 = arith.constant 0 : i32
        %dma_start3A_82 = tpu.memref_slice %arg20[%run_scoped3A, %dma_start3A_81] : memref<1x128xf32, #tpu.memory_space<vmem>> -> memref<1x128xf32, #tpu.memory_space<vmem>>
        %dma_start3A_83 = tpu.memref_squeeze %dma_start3A_82 : memref<1x128xf32, #tpu.memory_space<vmem>> -> memref<128xf32, #tpu.memory_space<vmem>>
        tpu.enqueue_dma source(%dma_start3A_83 : memref<128xf32, #tpu.memory_space<vmem>>) target(%dma_start3A_80 : memref<128xf32, #tpu.memory_space<hbm>>) target_semaphore(%run_scoped3A_75 : memref<!tpu.dma_semaphore, #tpu.memory_space<semaphore_mem>>)
        %dma_wait3A_84 = arith.constant 0 : i32
        %dma_wait3A_85 = tpu.memref_slice %arg20[%run_scoped3A, %dma_wait3A_84] : memref<1x128xf32, #tpu.memory_space<vmem>> -> memref<1x128xf32, #tpu.memory_space<vmem>>
        %dma_wait3A_86 = tpu.memref_squeeze %dma_wait3A_85 : memref<1x128xf32, #tpu.memory_space<vmem>> -> memref<128xf32, #tpu.memory_space<vmem>>
        %dma_wait3A_87 = tpu.memref_slice %arg9[%mul3A_74] : memref<2048xf32, #tpu.memory_space<hbm>> -> memref<128xf32, #tpu.memory_space<hbm>>
        %dma_wait3A_88 = tpu.memref_slice %arg9[%mul3A_74] : memref<2048xf32, #tpu.memory_space<hbm>> -> memref<128xf32, #tpu.memory_space<hbm>>
        %dma_wait3A_89 = arith.constant 0 : i32
        %dma_wait3A_90 = tpu.memref_slice %arg20[%run_scoped3A, %dma_wait3A_89] : memref<1x128xf32, #tpu.memory_space<vmem>> -> memref<1x128xf32, #tpu.memory_space<vmem>>
        %dma_wait3A_91 = tpu.memref_squeeze %dma_wait3A_90 : memref<1x128xf32, #tpu.memory_space<vmem>> -> memref<128xf32, #tpu.memory_space<vmem>>
        tpu.wait_dma2 semaphore(%run_scoped3A_75 : memref<!tpu.dma_semaphore, #tpu.memory_space<semaphore_mem>>) src(%dma_wait3A_91 : memref<128xf32, #tpu.memory_space<vmem>>) dst(%dma_wait3A_88 : memref<128xf32, #tpu.memory_space<hbm>>)
        tpu.yield
      }) : () -> ()
    } else {
    }
    %eq3A_22 = arith.constant 0 : i32
    %eq3A_23 = arith.cmpi eq, %arg0, %eq3A_22 : i32
    %lt3A = arith.constant 8 : i32
    %lt3A_24 = arith.cmpi slt, %arg1, %lt3A : i32
    %and3A = arith.andi %eq3A_23, %lt3A_24 : i1
    %convert_element_type3A_25 = arith.extui %and3A : i1 to i32
    %cond3A_26 = arith.constant 0 : i32
    %cond3A_27 = arith.cmpi ne, %convert_element_type3A_25, %cond3A_26 : i32
    scf.if %cond3A_27 {
      %mul3A_59 = arith.constant 128 : i32
      %mul3A_60 = arith.muli %arg1, %mul3A_59 : i32
      "tpu.region"() ({
        %run_scoped3A_75 = tpu.sem_alloc : memref<!tpu.dma_semaphore, #tpu.memory_space<semaphore_mem>>
        %dma_start3A_76 = tpu.memref_slice %arg4[%mul3A_60] : memref<1024xi32, #tpu.memory_space<hbm>> -> memref<128xi32, #tpu.memory_space<hbm>>
        %dma_start3A_77 = tpu.memref_slice %arg4[%mul3A_60] : memref<1024xi32, #tpu.memory_space<hbm>> -> memref<128xi32, #tpu.memory_space<hbm>>
        tpu.enqueue_dma source(%dma_start3A_77 : memref<128xi32, #tpu.memory_space<hbm>>) target(%arg18 : memref<128xi32, #tpu.memory_space<vmem>>) target_semaphore(%run_scoped3A_75 : memref<!tpu.dma_semaphore, #tpu.memory_space<semaphore_mem>>)
        %dma_wait3A_78 = tpu.memref_slice %arg4[%mul3A_60] : memref<1024xi32, #tpu.memory_space<hbm>> -> memref<128xi32, #tpu.memory_space<hbm>>
        %dma_wait3A_79 = tpu.memref_slice %arg4[%mul3A_60] : memref<1024xi32, #tpu.memory_space<hbm>> -> memref<128xi32, #tpu.memory_space<hbm>>
        tpu.wait_dma2 semaphore(%run_scoped3A_75 : memref<!tpu.dma_semaphore, #tpu.memory_space<semaphore_mem>>) src(%dma_wait3A_79 : memref<128xi32, #tpu.memory_space<hbm>>) dst(%arg18 : memref<128xi32, #tpu.memory_space<vmem>>)
        tpu.yield
      }) : () -> ()
      %dma_start3A_61 = arith.constant 0 : i32
      %dma_start3A_62 = arith.constant 0 : i32
      %dma_start3A_63 = tpu.memref_slice %arg20[%dma_start3A_61, %dma_start3A_62] : memref<1x128xf32, #tpu.memory_space<vmem>> -> memref<1x128xf32, #tpu.memory_space<vmem>>
      %dma_start3A_64 = tpu.memref_squeeze %dma_start3A_63 : memref<1x128xf32, #tpu.memory_space<vmem>> -> memref<128xf32, #tpu.memory_space<vmem>>
      %dma_start3A_65 = arith.constant 0 : i32
      %dma_start3A_66 = tpu.memref_slice %arg7[%dma_start3A_65] : memref<100000xf32, #tpu.memory_space<hbm>> -> memref<100000xf32, #tpu.memory_space<hbm>>
      tpu.enqueue_indirect_dma source(%dma_start3A_66 : memref<100000xf32, #tpu.memory_space<hbm>>) target(%dma_start3A_64 : memref<128xf32, #tpu.memory_space<vmem>>) offsets(%arg18 : memref<128xi32, #tpu.memory_space<vmem>>) semaphore(%arg22 : memref<!tpu.dma_semaphore, #tpu.memory_space<semaphore_mem>>)
      %dma_wait3A_67 = arith.constant 0 : i32
      %dma_wait3A_68 = arith.constant 0 : i32
      %dma_wait3A_69 = tpu.memref_slice %arg20[%dma_wait3A_67, %dma_wait3A_68] : memref<1x128xf32, #tpu.memory_space<vmem>> -> memref<1x128xf32, #tpu.memory_space<vmem>>
      %dma_wait3A_70 = tpu.memref_squeeze %dma_wait3A_69 : memref<1x128xf32, #tpu.memory_space<vmem>> -> memref<128xf32, #tpu.memory_space<vmem>>
      %dma_wait3A_71 = arith.constant 0 : i32
      %dma_wait3A_72 = tpu.memref_slice %arg7[%dma_wait3A_71] : memref<100000xf32, #tpu.memory_space<hbm>> -> memref<100000xf32, #tpu.memory_space<hbm>>
      tpu.wait_indirect_dma semaphore(%arg22 : memref<!tpu.dma_semaphore, #tpu.memory_space<semaphore_mem>>) src(%dma_wait3A_72 : memref<100000xf32, #tpu.memory_space<hbm>>) dst(%dma_wait3A_70 : memref<128xf32, #tpu.memory_space<vmem>>)
      %mul3A_73 = arith.constant 128 : i32
      %mul3A_74 = arith.muli %arg1, %mul3A_73 : i32
      %run_scoped3A = arith.constant 0 : i32
      "tpu.region"() ({
        %run_scoped3A_75 = tpu.sem_alloc : memref<!tpu.dma_semaphore, #tpu.memory_space<semaphore_mem>>
        %dma_start3A_76 = arith.constant 0 : i32
        %dma_start3A_77 = tpu.memref_slice %arg20[%run_scoped3A, %dma_start3A_76] : memref<1x128xf32, #tpu.memory_space<vmem>> -> memref<1x128xf32, #tpu.memory_space<vmem>>
        %dma_start3A_78 = tpu.memref_squeeze %dma_start3A_77 : memref<1x128xf32, #tpu.memory_space<vmem>> -> memref<128xf32, #tpu.memory_space<vmem>>
        %dma_start3A_79 = tpu.memref_slice %arg10[%mul3A_74] : memref<1024xf32, #tpu.memory_space<hbm>> -> memref<128xf32, #tpu.memory_space<hbm>>
        %dma_start3A_80 = tpu.memref_slice %arg10[%mul3A_74] : memref<1024xf32, #tpu.memory_space<hbm>> -> memref<128xf32, #tpu.memory_space<hbm>>
        %dma_start3A_81 = arith.constant 0 : i32
        %dma_start3A_82 = tpu.memref_slice %arg20[%run_scoped3A, %dma_start3A_81] : memref<1x128xf32, #tpu.memory_space<vmem>> -> memref<1x128xf32, #tpu.memory_space<vmem>>
        %dma_start3A_83 = tpu.memref_squeeze %dma_start3A_82 : memref<1x128xf32, #tpu.memory_space<vmem>> -> memref<128xf32, #tpu.memory_space<vmem>>
        tpu.enqueue_dma source(%dma_start3A_83 : memref<128xf32, #tpu.memory_space<vmem>>) target(%dma_start3A_80 : memref<128xf32, #tpu.memory_space<hbm>>) target_semaphore(%run_scoped3A_75 : memref<!tpu.dma_semaphore, #tpu.memory_space<semaphore_mem>>)
        %dma_wait3A_84 = arith.constant 0 : i32
        %dma_wait3A_85 = tpu.memref_slice %arg20[%run_scoped3A, %dma_wait3A_84] : memref<1x128xf32, #tpu.memory_space<vmem>> -> memref<1x128xf32, #tpu.memory_space<vmem>>
        %dma_wait3A_86 = tpu.memref_squeeze %dma_wait3A_85 : memref<1x128xf32, #tpu.memory_space<vmem>> -> memref<128xf32, #tpu.memory_space<vmem>>
        %dma_wait3A_87 = tpu.memref_slice %arg10[%mul3A_74] : memref<1024xf32, #tpu.memory_space<hbm>> -> memref<128xf32, #tpu.memory_space<hbm>>
        %dma_wait3A_88 = tpu.memref_slice %arg10[%mul3A_74] : memref<1024xf32, #tpu.memory_space<hbm>> -> memref<128xf32, #tpu.memory_space<hbm>>
        %dma_wait3A_89 = arith.constant 0 : i32
        %dma_wait3A_90 = tpu.memref_slice %arg20[%run_scoped3A, %dma_wait3A_89] : memref<1x128xf32, #tpu.memory_space<vmem>> -> memref<1x128xf32, #tpu.memory_space<vmem>>
        %dma_wait3A_91 = tpu.memref_squeeze %dma_wait3A_90 : memref<1x128xf32, #tpu.memory_space<vmem>> -> memref<128xf32, #tpu.memory_space<vmem>>
        tpu.wait_dma2 semaphore(%run_scoped3A_75 : memref<!tpu.dma_semaphore, #tpu.memory_space<semaphore_mem>>) src(%dma_wait3A_91 : memref<128xf32, #tpu.memory_space<vmem>>) dst(%dma_wait3A_88 : memref<128xf32, #tpu.memory_space<hbm>>)
        tpu.yield
      }) : () -> ()
    } else {
    }
    %eq3A_28 = arith.constant 1 : i32
    %eq3A_29 = arith.cmpi eq, %arg0, %eq3A_28 : i32
    %convert_element_type3A_30 = arith.extui %eq3A_29 : i1 to i32
    %cond3A_31 = arith.constant 0 : i32
    %cond3A_32 = arith.cmpi ne, %convert_element_type3A_30, %cond3A_31 : i32
    scf.if %cond3A_32 {
      %mul3A_59 = arith.constant 128 : i32
      %mul3A_60 = arith.muli %arg1, %mul3A_59 : i32
      "tpu.region"() ({
        %run_scoped3A = tpu.sem_alloc : memref<!tpu.dma_semaphore, #tpu.memory_space<semaphore_mem>>
        %dma_start3A_68 = tpu.memref_slice %arg3[%mul3A_60] : memref<2048xi32, #tpu.memory_space<hbm>> -> memref<128xi32, #tpu.memory_space<hbm>>
        %dma_start3A_69 = tpu.memref_slice %arg3[%mul3A_60] : memref<2048xi32, #tpu.memory_space<hbm>> -> memref<128xi32, #tpu.memory_space<hbm>>
        tpu.enqueue_dma source(%dma_start3A_69 : memref<128xi32, #tpu.memory_space<hbm>>) target(%arg19 : memref<128xi32, #tpu.memory_space<vmem>>) target_semaphore(%run_scoped3A : memref<!tpu.dma_semaphore, #tpu.memory_space<semaphore_mem>>)
        %dma_wait3A_70 = tpu.memref_slice %arg3[%mul3A_60] : memref<2048xi32, #tpu.memory_space<hbm>> -> memref<128xi32, #tpu.memory_space<hbm>>
        %dma_wait3A_71 = tpu.memref_slice %arg3[%mul3A_60] : memref<2048xi32, #tpu.memory_space<hbm>> -> memref<128xi32, #tpu.memory_space<hbm>>
        tpu.wait_dma2 semaphore(%run_scoped3A : memref<!tpu.dma_semaphore, #tpu.memory_space<semaphore_mem>>) src(%dma_wait3A_71 : memref<128xi32, #tpu.memory_space<hbm>>) dst(%arg19 : memref<128xi32, #tpu.memory_space<vmem>>)
        tpu.yield
      }) : () -> ()
      %scan3A_61 = arith.constant 0 : i32
      %scan3A_62 = arith.constant 0 : i32
      %scan3A_63 = arith.constant 32 : i32
      %scan3A_64 = arith.addi %scan3A_62, %scan3A_63 : i32
      %scan3A_65 = arith.constant 1 : i32
      %scan3A_66 = scf.for %scan3A_68 = %scan3A_62 to %scan3A_64 step %scan3A_65 iter_args(%scan3A_69 = %scan3A_61) -> (i32)  : i32 {
        %scan3A_70 = arith.constant 0 : i32
        %scan3A_71 = arith.constant 0 : i32
        %mul3A_72 = arith.constant 16 : i32
        %mul3A_73 = arith.muli %scan3A_71, %mul3A_72 : i32
        %get3A = arith.index_cast %mul3A_73 : i32 to index
        %get3A_74 = tpu.vector_load %arg19[%get3A] {strides = array<i32>} : memref<128xi32, #tpu.memory_space<vmem>>, vector<16xi32>,
        %get3A_75 = vector.shape_cast %get3A_74 : vector<16xi32> to vector<16xi32>
        %mul3A_76 = arith.constant 32 : i32
        %mul3A_77 = vector.broadcast %mul3A_76 : i32 to vector<16xi32>
        %mul3A_78 = arith.muli %get3A_75, %mul3A_77 : vector<16xi32>
        %add3A_79 = vector.broadcast %scan3A_68 : i32 to vector<16xi32>
        %add3A_80 = arith.addi %mul3A_78, %add3A_79 : vector<16xi32>
        %mul3A_81 = arith.constant 16 : i32
        %mul3A_82 = arith.muli %scan3A_71, %mul3A_81 : i32
        %swap3A = arith.index_cast %mul3A_82 : i32 to index
        %swap3A_83 = tpu.vector_load %arg18[%swap3A] {strides = array<i32>} : memref<128xi32, #tpu.memory_space<vmem>>, vector<16xi32>,
        %swap3A_84 = vector.shape_cast %swap3A_83 : vector<16xi32> to vector<16xi32>
        %swap3A_85 = vector.shape_cast %add3A_80 : vector<16xi32> to vector<16xi32>
        tpu.vector_store %arg18[%swap3A], %swap3A_85 {strides = array<i32>} : memref<128xi32, #tpu.memory_space<vmem>>, vector<16xi32>,
        %scan3A_86 = arith.constant 0 : i32
        %scan3A_87 = arith.constant 1 : i32
        %mul3A_88 = arith.constant 16 : i32
        %mul3A_89 = arith.muli %scan3A_87, %mul3A_88 : i32
        %get3A_90 = arith.index_cast %mul3A_89 : i32 to index
        %get3A_91 = tpu.vector_load %arg19[%get3A_90] {strides = array<i32>} : memref<128xi32, #tpu.memory_space<vmem>>, vector<16xi32>,
        %get3A_92 = vector.shape_cast %get3A_91 : vector<16xi32> to vector<16xi32>
        %mul3A_93 = arith.constant 32 : i32
        %mul3A_94 = vector.broadcast %mul3A_93 : i32 to vector<16xi32>
        %mul3A_95 = arith.muli %get3A_92, %mul3A_94 : vector<16xi32>
        %add3A_96 = vector.broadcast %scan3A_68 : i32 to vector<16xi32>
        %add3A_97 = arith.addi %mul3A_95, %add3A_96 : vector<16xi32>
        %mul3A_98 = arith.constant 16 : i32
        %mul3A_99 = arith.muli %scan3A_87, %mul3A_98 : i32
        %swap3A_100 = arith.index_cast %mul3A_99 : i32 to index
        %swap3A_101 = tpu.vector_load %arg18[%swap3A_100] {strides = array<i32>} : memref<128xi32, #tpu.memory_space<vmem>>, vector<16xi32>,
        %swap3A_102 = vector.shape_cast %swap3A_101 : vector<16xi32> to vector<16xi32>
        %swap3A_103 = vector.shape_cast %add3A_97 : vector<16xi32> to vector<16xi32>
        tpu.vector_store %arg18[%swap3A_100], %swap3A_103 {strides = array<i32>} : memref<128xi32, #tpu.memory_space<vmem>>, vector<16xi32>,
        %scan3A_104 = arith.constant 0 : i32
        %scan3A_105 = arith.constant 2 : i32
        %mul3A_106 = arith.constant 16 : i32
        %mul3A_107 = arith.muli %scan3A_105, %mul3A_106 : i32
        %get3A_108 = arith.index_cast %mul3A_107 : i32 to index
        %get3A_109 = tpu.vector_load %arg19[%get3A_108] {strides = array<i32>} : memref<128xi32, #tpu.memory_space<vmem>>, vector<16xi32>,
        %get3A_110 = vector.shape_cast %get3A_109 : vector<16xi32> to vector<16xi32>
        %mul3A_111 = arith.constant 32 : i32
        %mul3A_112 = vector.broadcast %mul3A_111 : i32 to vector<16xi32>
        %mul3A_113 = arith.muli %get3A_110, %mul3A_112 : vector<16xi32>
        %add3A_114 = vector.broadcast %scan3A_68 : i32 to vector<16xi32>
        %add3A_115 = arith.addi %mul3A_113, %add3A_114 : vector<16xi32>
        %mul3A_116 = arith.constant 16 : i32
        %mul3A_117 = arith.muli %scan3A_105, %mul3A_116 : i32
        %swap3A_118 = arith.index_cast %mul3A_117 : i32 to index
        %swap3A_119 = tpu.vector_load %arg18[%swap3A_118] {strides = array<i32>} : memref<128xi32, #tpu.memory_space<vmem>>, vector<16xi32>,
        %swap3A_120 = vector.shape_cast %swap3A_119 : vector<16xi32> to vector<16xi32>
        %swap3A_121 = vector.shape_cast %add3A_115 : vector<16xi32> to vector<16xi32>
        tpu.vector_store %arg18[%swap3A_118], %swap3A_121 {strides = array<i32>} : memref<128xi32, #tpu.memory_space<vmem>>, vector<16xi32>,
        %scan3A_122 = arith.constant 0 : i32
        %scan3A_123 = arith.constant 3 : i32
        %mul3A_124 = arith.constant 16 : i32
        %mul3A_125 = arith.muli %scan3A_123, %mul3A_124 : i32
        %get3A_126 = arith.index_cast %mul3A_125 : i32 to index
        %get3A_127 = tpu.vector_load %arg19[%get3A_126] {strides = array<i32>} : memref<128xi32, #tpu.memory_space<vmem>>, vector<16xi32>,
        %get3A_128 = vector.shape_cast %get3A_127 : vector<16xi32> to vector<16xi32>
        %mul3A_129 = arith.constant 32 : i32
        %mul3A_130 = vector.broadcast %mul3A_129 : i32 to vector<16xi32>
        %mul3A_131 = arith.muli %get3A_128, %mul3A_130 : vector<16xi32>
        %add3A_132 = vector.broadcast %scan3A_68 : i32 to vector<16xi32>
        %add3A_133 = arith.addi %mul3A_131, %add3A_132 : vector<16xi32>
        %mul3A_134 = arith.constant 16 : i32
        %mul3A_135 = arith.muli %scan3A_123, %mul3A_134 : i32
        %swap3A_136 = arith.index_cast %mul3A_135 : i32 to index
        %swap3A_137 = tpu.vector_load %arg18[%swap3A_136] {strides = array<i32>} : memref<128xi32, #tpu.memory_space<vmem>>, vector<16xi32>,
        %swap3A_138 = vector.shape_cast %swap3A_137 : vector<16xi32> to vector<16xi32>
        %swap3A_139 = vector.shape_cast %add3A_133 : vector<16xi32> to vector<16xi32>
        tpu.vector_store %arg18[%swap3A_136], %swap3A_139 {strides = array<i32>} : memref<128xi32, #tpu.memory_space<vmem>>, vector<16xi32>,
        %scan3A_140 = arith.constant 0 : i32
        %scan3A_141 = arith.constant 4 : i32
        %mul3A_142 = arith.constant 16 : i32
        %mul3A_143 = arith.muli %scan3A_141, %mul3A_142 : i32
        %get3A_144 = arith.index_cast %mul3A_143 : i32 to index
        %get3A_145 = tpu.vector_load %arg19[%get3A_144] {strides = array<i32>} : memref<128xi32, #tpu.memory_space<vmem>>, vector<16xi32>,
        %get3A_146 = vector.shape_cast %get3A_145 : vector<16xi32> to vector<16xi32>
        %mul3A_147 = arith.constant 32 : i32
        %mul3A_148 = vector.broadcast %mul3A_147 : i32 to vector<16xi32>
        %mul3A_149 = arith.muli %get3A_146, %mul3A_148 : vector<16xi32>
        %add3A_150 = vector.broadcast %scan3A_68 : i32 to vector<16xi32>
        %add3A_151 = arith.addi %mul3A_149, %add3A_150 : vector<16xi32>
        %mul3A_152 = arith.constant 16 : i32
        %mul3A_153 = arith.muli %scan3A_141, %mul3A_152 : i32
        %swap3A_154 = arith.index_cast %mul3A_153 : i32 to index
        %swap3A_155 = tpu.vector_load %arg18[%swap3A_154] {strides = array<i32>} : memref<128xi32, #tpu.memory_space<vmem>>, vector<16xi32>,
        %swap3A_156 = vector.shape_cast %swap3A_155 : vector<16xi32> to vector<16xi32>
        %swap3A_157 = vector.shape_cast %add3A_151 : vector<16xi32> to vector<16xi32>
        tpu.vector_store %arg18[%swap3A_154], %swap3A_157 {strides = array<i32>} : memref<128xi32, #tpu.memory_space<vmem>>, vector<16xi32>,
        %scan3A_158 = arith.constant 0 : i32
        %scan3A_159 = arith.constant 5 : i32
        %mul3A_160 = arith.constant 16 : i32
        %mul3A_161 = arith.muli %scan3A_159, %mul3A_160 : i32
        %get3A_162 = arith.index_cast %mul3A_161 : i32 to index
        %get3A_163 = tpu.vector_load %arg19[%get3A_162] {strides = array<i32>} : memref<128xi32, #tpu.memory_space<vmem>>, vector<16xi32>,
        %get3A_164 = vector.shape_cast %get3A_163 : vector<16xi32> to vector<16xi32>
        %mul3A_165 = arith.constant 32 : i32
        %mul3A_166 = vector.broadcast %mul3A_165 : i32 to vector<16xi32>
        %mul3A_167 = arith.muli %get3A_164, %mul3A_166 : vector<16xi32>
        %add3A_168 = vector.broadcast %scan3A_68 : i32 to vector<16xi32>
        %add3A_169 = arith.addi %mul3A_167, %add3A_168 : vector<16xi32>
        %mul3A_170 = arith.constant 16 : i32
        %mul3A_171 = arith.muli %scan3A_159, %mul3A_170 : i32
        %swap3A_172 = arith.index_cast %mul3A_171 : i32 to index
        %swap3A_173 = tpu.vector_load %arg18[%swap3A_172] {strides = array<i32>} : memref<128xi32, #tpu.memory_space<vmem>>, vector<16xi32>,
        %swap3A_174 = vector.shape_cast %swap3A_173 : vector<16xi32> to vector<16xi32>
        %swap3A_175 = vector.shape_cast %add3A_169 : vector<16xi32> to vector<16xi32>
        tpu.vector_store %arg18[%swap3A_172], %swap3A_175 {strides = array<i32>} : memref<128xi32, #tpu.memory_space<vmem>>, vector<16xi32>,
        %scan3A_176 = arith.constant 0 : i32
        %scan3A_177 = arith.constant 6 : i32
        %mul3A_178 = arith.constant 16 : i32
        %mul3A_179 = arith.muli %scan3A_177, %mul3A_178 : i32
        %get3A_180 = arith.index_cast %mul3A_179 : i32 to index
        %get3A_181 = tpu.vector_load %arg19[%get3A_180] {strides = array<i32>} : memref<128xi32, #tpu.memory_space<vmem>>, vector<16xi32>,
        %get3A_182 = vector.shape_cast %get3A_181 : vector<16xi32> to vector<16xi32>
        %mul3A_183 = arith.constant 32 : i32
        %mul3A_184 = vector.broadcast %mul3A_183 : i32 to vector<16xi32>
        %mul3A_185 = arith.muli %get3A_182, %mul3A_184 : vector<16xi32>
        %add3A_186 = vector.broadcast %scan3A_68 : i32 to vector<16xi32>
        %add3A_187 = arith.addi %mul3A_185, %add3A_186 : vector<16xi32>
        %mul3A_188 = arith.constant 16 : i32
        %mul3A_189 = arith.muli %scan3A_177, %mul3A_188 : i32
        %swap3A_190 = arith.index_cast %mul3A_189 : i32 to index
        %swap3A_191 = tpu.vector_load %arg18[%swap3A_190] {strides = array<i32>} : memref<128xi32, #tpu.memory_space<vmem>>, vector<16xi32>,
        %swap3A_192 = vector.shape_cast %swap3A_191 : vector<16xi32> to vector<16xi32>
        %swap3A_193 = vector.shape_cast %add3A_187 : vector<16xi32> to vector<16xi32>
        tpu.vector_store %arg18[%swap3A_190], %swap3A_193 {strides = array<i32>} : memref<128xi32, #tpu.memory_space<vmem>>, vector<16xi32>,
        %scan3A_194 = arith.constant 0 : i32
        %scan3A_195 = arith.constant 7 : i32
        %mul3A_196 = arith.constant 16 : i32
        %mul3A_197 = arith.muli %scan3A_195, %mul3A_196 : i32
        %get3A_198 = arith.index_cast %mul3A_197 : i32 to index
        %get3A_199 = tpu.vector_load %arg19[%get3A_198] {strides = array<i32>} : memref<128xi32, #tpu.memory_space<vmem>>, vector<16xi32>,
        %get3A_200 = vector.shape_cast %get3A_199 : vector<16xi32> to vector<16xi32>
        %mul3A_201 = arith.constant 32 : i32
        %mul3A_202 = vector.broadcast %mul3A_201 : i32 to vector<16xi32>
        %mul3A_203 = arith.muli %get3A_200, %mul3A_202 : vector<16xi32>
        %add3A_204 = vector.broadcast %scan3A_68 : i32 to vector<16xi32>
        %add3A_205 = arith.addi %mul3A_203, %add3A_204 : vector<16xi32>
        %mul3A_206 = arith.constant 16 : i32
        %mul3A_207 = arith.muli %scan3A_195, %mul3A_206 : i32
        %swap3A_208 = arith.index_cast %mul3A_207 : i32 to index
        %swap3A_209 = tpu.vector_load %arg18[%swap3A_208] {strides = array<i32>} : memref<128xi32, #tpu.memory_space<vmem>>, vector<16xi32>,
        %swap3A_210 = vector.shape_cast %swap3A_209 : vector<16xi32> to vector<16xi32>
        %swap3A_211 = vector.shape_cast %add3A_205 : vector<16xi32> to vector<16xi32>
        tpu.vector_store %arg18[%swap3A_208], %swap3A_211 {strides = array<i32>} : memref<128xi32, #tpu.memory_space<vmem>>, vector<16xi32>,
        %scan3A_212 = arith.constant 0 : i32
        %scan3A_213 = arith.constant 8 : i32
        %dma_start3A_214 = arith.constant 0 : i32
        %dma_start3A_215 = arith.constant 0 : i32
        %dma_start3A_216 = tpu.memref_slice %arg20[%dma_start3A_214, %dma_start3A_215] : memref<1x128xf32, #tpu.memory_space<vmem>> -> memref<1x128xf32, #tpu.memory_space<vmem>>
        %dma_start3A_217 = tpu.memref_squeeze %dma_start3A_216 : memref<1x128xf32, #tpu.memory_space<vmem>> -> memref<128xf32, #tpu.memory_space<vmem>>
        %dma_start3A_218 = arith.constant 0 : i32
        %dma_start3A_219 = tpu.memref_slice %arg6[%dma_start3A_218] : memref<640000xf32, #tpu.memory_space<hbm>> -> memref<640000xf32, #tpu.memory_space<hbm>>
        tpu.enqueue_indirect_dma source(%dma_start3A_219 : memref<640000xf32, #tpu.memory_space<hbm>>) target(%dma_start3A_217 : memref<128xf32, #tpu.memory_space<vmem>>) offsets(%arg18 : memref<128xi32, #tpu.memory_space<vmem>>) semaphore(%arg22 : memref<!tpu.dma_semaphore, #tpu.memory_space<semaphore_mem>>)
        %dma_wait3A_220 = arith.constant 0 : i32
        %dma_wait3A_221 = arith.constant 0 : i32
        %dma_wait3A_222 = tpu.memref_slice %arg20[%dma_wait3A_220, %dma_wait3A_221] : memref<1x128xf32, #tpu.memory_space<vmem>> -> memref<1x128xf32, #tpu.memory_space<vmem>>
        %dma_wait3A_223 = tpu.memref_squeeze %dma_wait3A_222 : memref<1x128xf32, #tpu.memory_space<vmem>> -> memref<128xf32, #tpu.memory_space<vmem>>
        %dma_wait3A_224 = arith.constant 0 : i32
        %dma_wait3A_225 = tpu.memref_slice %arg6[%dma_wait3A_224] : memref<640000xf32, #tpu.memory_space<hbm>> -> memref<640000xf32, #tpu.memory_space<hbm>>
        tpu.wait_indirect_dma semaphore(%arg22 : memref<!tpu.dma_semaphore, #tpu.memory_space<semaphore_mem>>) src(%dma_wait3A_225 : memref<640000xf32, #tpu.memory_space<hbm>>) dst(%dma_wait3A_223 : memref<128xf32, #tpu.memory_space<vmem>>)
        %mul3A_226 = arith.constant 128 : i32
        %mul3A_227 = arith.muli %arg1, %mul3A_226 : i32
        "tpu.region"() ({
          %run_scoped3A = tpu.sem_alloc : memref<!tpu.dma_semaphore, #tpu.memory_space<semaphore_mem>>
          %dma_start3A_229 = tpu.memref_slice %arg11[%scan3A_68, %mul3A_227] : memref<32x2048xf32, #tpu.memory_space<hbm>> -> memref<1x128xf32, #tpu.memory_space<hbm>>
          %dma_start3A_230 = tpu.memref_slice %arg11[%scan3A_68, %mul3A_227] : memref<32x2048xf32, #tpu.memory_space<hbm>> -> memref<1x128xf32, #tpu.memory_space<hbm>>
          tpu.enqueue_dma source(%arg20 : memref<1x128xf32, #tpu.memory_space<vmem>>) target(%dma_start3A_230 : memref<1x128xf32, #tpu.memory_space<hbm>>) target_semaphore(%run_scoped3A : memref<!tpu.dma_semaphore, #tpu.memory_space<semaphore_mem>>)
          %dma_wait3A_231 = tpu.memref_slice %arg11[%scan3A_68, %mul3A_227] : memref<32x2048xf32, #tpu.memory_space<hbm>> -> memref<1x128xf32, #tpu.memory_space<hbm>>
          %dma_wait3A_232 = tpu.memref_slice %arg11[%scan3A_68, %mul3A_227] : memref<32x2048xf32, #tpu.memory_space<hbm>> -> memref<1x128xf32, #tpu.memory_space<hbm>>
          tpu.wait_dma2 semaphore(%run_scoped3A : memref<!tpu.dma_semaphore, #tpu.memory_space<semaphore_mem>>) src(%arg20 : memref<1x128xf32, #tpu.memory_space<vmem>>) dst(%dma_wait3A_232 : memref<1x128xf32, #tpu.memory_space<hbm>>)
          tpu.yield
        }) : () -> ()
        %scan3A_228 = arith.constant 0 : i32
        scf.yield %scan3A_228 : i32
      }
      %scan3A_67 = arith.constant 32 : i32
    } else {
    }
    %barrier3A = arith.constant 0 : index
    tpu.barrier barrier_id(%barrier3A)
    %mul3A = arith.constant 1048576 : i32
    %mul3A_33 = arith.muli %arg0, %mul3A : i32
    %sub3A = arith.constant 2048 : i32
    %sub3A_34 = arith.subi %mul3A_33, %sub3A : i32
    %mul3A_35 = arith.constant 524288 : i32
    %mul3A_36 = arith.muli %arg1, %mul3A_35 : i32
    %add3A = arith.constant 0 : i32
    %add3A_37 = arith.addi %mul3A_36, %add3A : i32
    %dma_start3A = tpu.memref_slice %arg2[%add3A_37] : memref<8388608xi32, #tpu.memory_space<hbm>> -> memref<8192xi32, #tpu.memory_space<hbm>>
    %dma_start3A_38 = tpu.memref_slice %arg2[%add3A_37] : memref<8388608xi32, #tpu.memory_space<hbm>> -> memref<8192xi32, #tpu.memory_space<hbm>>
    tpu.enqueue_dma source(%dma_start3A_38 : memref<8192xi32, #tpu.memory_space<hbm>>) target(%arg13 : memref<8192xi32, #tpu.memory_space<vmem>>) target_semaphore(%arg23 : memref<!tpu.dma_semaphore, #tpu.memory_space<semaphore_mem>>)
    %scan3A_39 = arith.constant 0 : i32
    %scan3A_40 = arith.constant 0 : i32
    %scan3A_41 = arith.constant 32 : i32
    %scan3A_42 = arith.addi %scan3A_40, %scan3A_41 : i32
    %scan3A_43 = arith.constant 1 : i32
    %scan3A_44 = scf.for %scan3A_59 = %scan3A_40 to %scan3A_42 step %scan3A_43 iter_args(%scan3A_60 = %scan3A_39) -> (i32)  : i32 {
      %mul3A_61 = arith.constant 2 : i32
      %mul3A_62 = arith.muli %mul3A_61, %scan3A_59 : i32
      %add3A_63 = arith.constant 1 : i32
      %add3A_64 = arith.addi %mul3A_62, %add3A_63 : i32
      %mul3A_65 = arith.constant 8192 : i32
      %mul3A_66 = arith.muli %add3A_64, %mul3A_65 : i32
      %add3A_67 = arith.addi %mul3A_36, %mul3A_66 : i32
      %dma_start3A_68 = tpu.memref_slice %arg2[%add3A_67] : memref<8388608xi32, #tpu.memory_space<hbm>> -> memref<8192xi32, #tpu.memory_space<hbm>>
      %dma_start3A_69 = tpu.memref_slice %arg2[%add3A_67] : memref<8388608xi32, #tpu.memory_space<hbm>> -> memref<8192xi32, #tpu.memory_space<hbm>>
      tpu.enqueue_dma source(%dma_start3A_69 : memref<8192xi32, #tpu.memory_space<hbm>>) target(%arg14 : memref<8192xi32, #tpu.memory_space<vmem>>) target_semaphore(%arg23 : memref<!tpu.dma_semaphore, #tpu.memory_space<semaphore_mem>>)
      %mul3A_70 = arith.constant 2 : i32
      %mul3A_71 = arith.muli %mul3A_70, %scan3A_59 : i32
      %mul3A_72 = arith.constant 8192 : i32
      %mul3A_73 = arith.muli %mul3A_71, %mul3A_72 : i32
      %add3A_74 = arith.addi %mul3A_36, %mul3A_73 : i32
      %dma_wait3A_75 = tpu.memref_slice %arg2[%add3A_74] : memref<8388608xi32, #tpu.memory_space<hbm>> -> memref<8192xi32, #tpu.memory_space<hbm>>
      %dma_wait3A_76 = tpu.memref_slice %arg2[%add3A_74] : memref<8388608xi32, #tpu.memory_space<hbm>> -> memref<8192xi32, #tpu.memory_space<hbm>>
      tpu.wait_dma2 semaphore(%arg23 : memref<!tpu.dma_semaphore, #tpu.memory_space<semaphore_mem>>) src(%dma_wait3A_76 : memref<8192xi32, #tpu.memory_space<hbm>>) dst(%arg13 : memref<8192xi32, #tpu.memory_space<vmem>>)
      %gt3A = arith.constant 0 : i32
      %gt3A_77 = arith.cmpi sgt, %scan3A_59, %gt3A : i32
      %convert_element_type3A_78 = arith.extui %gt3A_77 : i1 to i32
      %cond3A_79 = arith.constant 0 : i32
      %cond3A_80 = arith.cmpi ne, %convert_element_type3A_78, %cond3A_79 : i32
      scf.if %cond3A_80 {
        %dma_wait3A_119 = arith.constant 0 : i32
        %dma_wait3A_120 = tpu.memref_slice %arg21[%dma_wait3A_119] : memref<1052672xf32, #tpu.memory_space<vmem_shared>> -> memref<1052672xf32, #tpu.memory_space<vmem_shared>>
        tpu.wait_indirect_dma semaphore(%arg24 : memref<!tpu.dma_semaphore, #tpu.memory_space<semaphore_mem>>) src(%arg17 : memref<8192xf32, #tpu.memory_space<vmem>>) dst(%dma_wait3A_120 : memref<1052672xf32, #tpu.memory_space<vmem_shared>>)
      } else {
      }
      %scan3A_81 = arith.constant 0 : i32
      %scan3A_82 = arith.constant 0 : i32
      %scan3A_83 = arith.constant 512 : i32
      %scan3A_84 = arith.addi %scan3A_82, %scan3A_83 : i32
      %scan3A_85 = arith.constant 8 : i32
      %scan3A_86 = scf.for %scan3A_119 = %scan3A_82 to %scan3A_84 step %scan3A_85 iter_args(%scan3A_120 = %scan3A_81) -> (i32)  : i32 {
        %mul3A_121 = arith.constant 16 : i32
        %mul3A_122 = arith.muli %scan3A_119, %mul3A_121 : i32
        %get3A = arith.index_cast %mul3A_122 : i32 to index
        %get3A_123 = tpu.vector_load %arg13[%get3A] {strides = array<i32>} : memref<8192xi32, #tpu.memory_space<vmem>>, vector<16xi32>,
        %get3A_124 = vector.shape_cast %get3A_123 : vector<16xi32> to vector<16xi32>
        %sub3A_125 = vector.broadcast %sub3A_34 : i32 to vector<16xi32>
        %sub3A_126 = arith.subi %get3A_124, %sub3A_125 : vector<16xi32>
        %and3A_127 = arith.constant 2047 : i32
        %and3A_128 = vector.broadcast %and3A_127 : i32 to vector<16xi32>
        %and3A_129 = arith.andi %get3A_124, %and3A_128 : vector<16xi32>
        %lt3A_130 = arith.constant 2048 : i32
        %lt3A_131 = vector.broadcast %lt3A_130 : i32 to vector<16xi32>
        %lt3A_132 = arith.cmpi slt, %sub3A_126, %lt3A_131 : vector<16xi32>
        %select_n3A = arith.select %lt3A_132, %and3A_129, %sub3A_126 : vector<16xi1>, vector<16xi32>
        %ge3A = arith.constant 1050624 : i32
        %ge3A_133 = vector.broadcast %ge3A : i32 to vector<16xi32>
        %ge3A_134 = arith.cmpi sge, %select_n3A, %ge3A_133 : vector<16xi32>
        %add3A_135 = arith.constant 1050624 : i32
        %add3A_136 = vector.broadcast %add3A_135 : i32 to vector<16xi32>
        %add3A_137 = arith.addi %add3A_136, %and3A_129 : vector<16xi32>
        %select_n3A_138 = arith.select %ge3A_134, %add3A_137, %select_n3A : vector<16xi1>, vector<16xi32>
        %mul3A_139 = arith.constant 16 : i32
        %mul3A_140 = arith.muli %scan3A_119, %mul3A_139 : i32
        %swap3A = arith.index_cast %mul3A_140 : i32 to index
        %swap3A_141 = tpu.vector_load %arg15[%swap3A] {strides = array<i32>} : memref<8192xi32, #tpu.memory_space<vmem>>, vector<16xi32>,
        %swap3A_142 = vector.shape_cast %swap3A_141 : vector<16xi32> to vector<16xi32>
        %swap3A_143 = vector.shape_cast %select_n3A_138 : vector<16xi32> to vector<16xi32>
        tpu.vector_store %arg15[%swap3A], %swap3A_143 {strides = array<i32>} : memref<8192xi32, #tpu.memory_space<vmem>>, vector<16xi32>,
        %scan3A_144 = arith.constant 0 : i32
        %scan3A_145 = arith.constant 1 : i32
        %scan3A_146 = arith.addi %scan3A_119, %scan3A_145 : i32
        %mul3A_147 = arith.constant 16 : i32
        %mul3A_148 = arith.muli %scan3A_146, %mul3A_147 : i32
        %get3A_149 = arith.index_cast %mul3A_148 : i32 to index
        %get3A_150 = tpu.vector_load %arg13[%get3A_149] {strides = array<i32>} : memref<8192xi32, #tpu.memory_space<vmem>>, vector<16xi32>,
        %get3A_151 = vector.shape_cast %get3A_150 : vector<16xi32> to vector<16xi32>
        %sub3A_152 = vector.broadcast %sub3A_34 : i32 to vector<16xi32>
        %sub3A_153 = arith.subi %get3A_151, %sub3A_152 : vector<16xi32>
        %and3A_154 = arith.constant 2047 : i32
        %and3A_155 = vector.broadcast %and3A_154 : i32 to vector<16xi32>
        %and3A_156 = arith.andi %get3A_151, %and3A_155 : vector<16xi32>
        %lt3A_157 = arith.constant 2048 : i32
        %lt3A_158 = vector.broadcast %lt3A_157 : i32 to vector<16xi32>
        %lt3A_159 = arith.cmpi slt, %sub3A_153, %lt3A_158 : vector<16xi32>
        %select_n3A_160 = arith.select %lt3A_159, %and3A_156, %sub3A_153 : vector<16xi1>, vector<16xi32>
        %ge3A_161 = arith.constant 1050624 : i32
        %ge3A_162 = vector.broadcast %ge3A_161 : i32 to vector<16xi32>
        %ge3A_163 = arith.cmpi sge, %select_n3A_160, %ge3A_162 : vector<16xi32>
        %add3A_164 = arith.constant 1050624 : i32
        %add3A_165 = vector.broadcast %add3A_164 : i32 to vector<16xi32>
        %add3A_166 = arith.addi %add3A_165, %and3A_156 : vector<16xi32>
        %select_n3A_167 = arith.select %ge3A_163, %add3A_166, %select_n3A_160 : vector<16xi1>, vector<16xi32>
        %mul3A_168 = arith.constant 16 : i32
        %mul3A_169 = arith.muli %scan3A_146, %mul3A_168 : i32
        %swap3A_170 = arith.index_cast %mul3A_169 : i32 to index
        %swap3A_171 = tpu.vector_load %arg15[%swap3A_170] {strides = array<i32>} : memref<8192xi32, #tpu.memory_space<vmem>>, vector<16xi32>,
        %swap3A_172 = vector.shape_cast %swap3A_171 : vector<16xi32> to vector<16xi32>
        %swap3A_173 = vector.shape_cast %select_n3A_167 : vector<16xi32> to vector<16xi32>
        tpu.vector_store %arg15[%swap3A_170], %swap3A_173 {strides = array<i32>} : memref<8192xi32, #tpu.memory_space<vmem>>, vector<16xi32>,
        %scan3A_174 = arith.constant 0 : i32
        %scan3A_175 = arith.constant 2 : i32
        %scan3A_176 = arith.addi %scan3A_119, %scan3A_175 : i32
        %mul3A_177 = arith.constant 16 : i32
        %mul3A_178 = arith.muli %scan3A_176, %mul3A_177 : i32
        %get3A_179 = arith.index_cast %mul3A_178 : i32 to index
        %get3A_180 = tpu.vector_load %arg13[%get3A_179] {strides = array<i32>} : memref<8192xi32, #tpu.memory_space<vmem>>, vector<16xi32>,
        %get3A_181 = vector.shape_cast %get3A_180 : vector<16xi32> to vector<16xi32>
        %sub3A_182 = vector.broadcast %sub3A_34 : i32 to vector<16xi32>
        %sub3A_183 = arith.subi %get3A_181, %sub3A_182 : vector<16xi32>
        %and3A_184 = arith.constant 2047 : i32
        %and3A_185 = vector.broadcast %and3A_184 : i32 to vector<16xi32>
        %and3A_186 = arith.andi %get3A_181, %and3A_185 : vector<16xi32>
        %lt3A_187 = arith.constant 2048 : i32
        %lt3A_188 = vector.broadcast %lt3A_187 : i32 to vector<16xi32>
        %lt3A_189 = arith.cmpi slt, %sub3A_183, %lt3A_188 : vector<16xi32>
        %select_n3A_190 = arith.select %lt3A_189, %and3A_186, %sub3A_183 : vector<16xi1>, vector<16xi32>
        %ge3A_191 = arith.constant 1050624 : i32
        %ge3A_192 = vector.broadcast %ge3A_191 : i32 to vector<16xi32>
        %ge3A_193 = arith.cmpi sge, %select_n3A_190, %ge3A_192 : vector<16xi32>
        %add3A_194 = arith.constant 1050624 : i32
        %add3A_195 = vector.broadcast %add3A_194 : i32 to vector<16xi32>
        %add3A_196 = arith.addi %add3A_195, %and3A_186 : vector<16xi32>
        %select_n3A_197 = arith.select %ge3A_193, %add3A_196, %select_n3A_190 : vector<16xi1>, vector<16xi32>
        %mul3A_198 = arith.constant 16 : i32
        %mul3A_199 = arith.muli %scan3A_176, %mul3A_198 : i32
        %swap3A_200 = arith.index_cast %mul3A_199 : i32 to index
        %swap3A_201 = tpu.vector_load %arg15[%swap3A_200] {strides = array<i32>} : memref<8192xi32, #tpu.memory_space<vmem>>, vector<16xi32>,
        %swap3A_202 = vector.shape_cast %swap3A_201 : vector<16xi32> to vector<16xi32>
        %swap3A_203 = vector.shape_cast %select_n3A_197 : vector<16xi32> to vector<16xi32>
        tpu.vector_store %arg15[%swap3A_200], %swap3A_203 {strides = array<i32>} : memref<8192xi32, #tpu.memory_space<vmem>>, vector<16xi32>,
        %scan3A_204 = arith.constant 0 : i32
        %scan3A_205 = arith.constant 3 : i32
        %scan3A_206 = arith.addi %scan3A_119, %scan3A_205 : i32
        %mul3A_207 = arith.constant 16 : i32
        %mul3A_208 = arith.muli %scan3A_206, %mul3A_207 : i32
        %get3A_209 = arith.index_cast %mul3A_208 : i32 to index
        %get3A_210 = tpu.vector_load %arg13[%get3A_209] {strides = array<i32>} : memref<8192xi32, #tpu.memory_space<vmem>>, vector<16xi32>,
        %get3A_211 = vector.shape_cast %get3A_210 : vector<16xi32> to vector<16xi32>
        %sub3A_212 = vector.broadcast %sub3A_34 : i32 to vector<16xi32>
        %sub3A_213 = arith.subi %get3A_211, %sub3A_212 : vector<16xi32>
        %and3A_214 = arith.constant 2047 : i32
        %and3A_215 = vector.broadcast %and3A_214 : i32 to vector<16xi32>
        %and3A_216 = arith.andi %get3A_211, %and3A_215 : vector<16xi32>
        %lt3A_217 = arith.constant 2048 : i32
        %lt3A_218 = vector.broadcast %lt3A_217 : i32 to vector<16xi32>
        %lt3A_219 = arith.cmpi slt, %sub3A_213, %lt3A_218 : vector<16xi32>
        %select_n3A_220 = arith.select %lt3A_219, %and3A_216, %sub3A_213 : vector<16xi1>, vector<16xi32>
        %ge3A_221 = arith.constant 1050624 : i32
        %ge3A_222 = vector.broadcast %ge3A_221 : i32 to vector<16xi32>
        %ge3A_223 = arith.cmpi sge, %select_n3A_220, %ge3A_222 : vector<16xi32>
        %add3A_224 = arith.constant 1050624 : i32
        %add3A_225 = vector.broadcast %add3A_224 : i32 to vector<16xi32>
        %add3A_226 = arith.addi %add3A_225, %and3A_216 : vector<16xi32>
        %select_n3A_227 = arith.select %ge3A_223, %add3A_226, %select_n3A_220 : vector<16xi1>, vector<16xi32>
        %mul3A_228 = arith.constant 16 : i32
        %mul3A_229 = arith.muli %scan3A_206, %mul3A_228 : i32
        %swap3A_230 = arith.index_cast %mul3A_229 : i32 to index
        %swap3A_231 = tpu.vector_load %arg15[%swap3A_230] {strides = array<i32>} : memref<8192xi32, #tpu.memory_space<vmem>>, vector<16xi32>,
        %swap3A_232 = vector.shape_cast %swap3A_231 : vector<16xi32> to vector<16xi32>
        %swap3A_233 = vector.shape_cast %select_n3A_227 : vector<16xi32> to vector<16xi32>
        tpu.vector_store %arg15[%swap3A_230], %swap3A_233 {strides = array<i32>} : memref<8192xi32, #tpu.memory_space<vmem>>, vector<16xi32>,
        %scan3A_234 = arith.constant 0 : i32
        %scan3A_235 = arith.constant 4 : i32
        %scan3A_236 = arith.addi %scan3A_119, %scan3A_235 : i32
        %mul3A_237 = arith.constant 16 : i32
        %mul3A_238 = arith.muli %scan3A_236, %mul3A_237 : i32
        %get3A_239 = arith.index_cast %mul3A_238 : i32 to index
        %get3A_240 = tpu.vector_load %arg13[%get3A_239] {strides = array<i32>} : memref<8192xi32, #tpu.memory_space<vmem>>, vector<16xi32>,
        %get3A_241 = vector.shape_cast %get3A_240 : vector<16xi32> to vector<16xi32>
        %sub3A_242 = vector.broadcast %sub3A_34 : i32 to vector<16xi32>
        %sub3A_243 = arith.subi %get3A_241, %sub3A_242 : vector<16xi32>
        %and3A_244 = arith.constant 2047 : i32
        %and3A_245 = vector.broadcast %and3A_244 : i32 to vector<16xi32>
        %and3A_246 = arith.andi %get3A_241, %and3A_245 : vector<16xi32>
        %lt3A_247 = arith.constant 2048 : i32
        %lt3A_248 = vector.broadcast %lt3A_247 : i32 to vector<16xi32>
        %lt3A_249 = arith.cmpi slt, %sub3A_243, %lt3A_248 : vector<16xi32>
        %select_n3A_250 = arith.select %lt3A_249, %and3A_246, %sub3A_243 : vector<16xi1>, vector<16xi32>
        %ge3A_251 = arith.constant 1050624 : i32
        %ge3A_252 = vector.broadcast %ge3A_251 : i32 to vector<16xi32>
        %ge3A_253 = arith.cmpi sge, %select_n3A_250, %ge3A_252 : vector<16xi32>
        %add3A_254 = arith.constant 1050624 : i32
        %add3A_255 = vector.broadcast %add3A_254 : i32 to vector<16xi32>
        %add3A_256 = arith.addi %add3A_255, %and3A_246 : vector<16xi32>
        %select_n3A_257 = arith.select %ge3A_253, %add3A_256, %select_n3A_250 : vector<16xi1>, vector<16xi32>
        %mul3A_258 = arith.constant 16 : i32
        %mul3A_259 = arith.muli %scan3A_236, %mul3A_258 : i32
        %swap3A_260 = arith.index_cast %mul3A_259 : i32 to index
        %swap3A_261 = tpu.vector_load %arg15[%swap3A_260] {strides = array<i32>} : memref<8192xi32, #tpu.memory_space<vmem>>, vector<16xi32>,
        %swap3A_262 = vector.shape_cast %swap3A_261 : vector<16xi32> to vector<16xi32>
        %swap3A_263 = vector.shape_cast %select_n3A_257 : vector<16xi32> to vector<16xi32>
        tpu.vector_store %arg15[%swap3A_260], %swap3A_263 {strides = array<i32>} : memref<8192xi32, #tpu.memory_space<vmem>>, vector<16xi32>,
        %scan3A_264 = arith.constant 0 : i32
        %scan3A_265 = arith.constant 5 : i32
        %scan3A_266 = arith.addi %scan3A_119, %scan3A_265 : i32
        %mul3A_267 = arith.constant 16 : i32
        %mul3A_268 = arith.muli %scan3A_266, %mul3A_267 : i32
        %get3A_269 = arith.index_cast %mul3A_268 : i32 to index
        %get3A_270 = tpu.vector_load %arg13[%get3A_269] {strides = array<i32>} : memref<8192xi32, #tpu.memory_space<vmem>>, vector<16xi32>,
        %get3A_271 = vector.shape_cast %get3A_270 : vector<16xi32> to vector<16xi32>
        %sub3A_272 = vector.broadcast %sub3A_34 : i32 to vector<16xi32>
        %sub3A_273 = arith.subi %get3A_271, %sub3A_272 : vector<16xi32>
        %and3A_274 = arith.constant 2047 : i32
        %and3A_275 = vector.broadcast %and3A_274 : i32 to vector<16xi32>
        %and3A_276 = arith.andi %get3A_271, %and3A_275 : vector<16xi32>
        %lt3A_277 = arith.constant 2048 : i32
        %lt3A_278 = vector.broadcast %lt3A_277 : i32 to vector<16xi32>
        %lt3A_279 = arith.cmpi slt, %sub3A_273, %lt3A_278 : vector<16xi32>
        %select_n3A_280 = arith.select %lt3A_279, %and3A_276, %sub3A_273 : vector<16xi1>, vector<16xi32>
        %ge3A_281 = arith.constant 1050624 : i32
        %ge3A_282 = vector.broadcast %ge3A_281 : i32 to vector<16xi32>
        %ge3A_283 = arith.cmpi sge, %select_n3A_280, %ge3A_282 : vector<16xi32>
        %add3A_284 = arith.constant 1050624 : i32
        %add3A_285 = vector.broadcast %add3A_284 : i32 to vector<16xi32>
        %add3A_286 = arith.addi %add3A_285, %and3A_276 : vector<16xi32>
        %select_n3A_287 = arith.select %ge3A_283, %add3A_286, %select_n3A_280 : vector<16xi1>, vector<16xi32>
        %mul3A_288 = arith.constant 16 : i32
        %mul3A_289 = arith.muli %scan3A_266, %mul3A_288 : i32
        %swap3A_290 = arith.index_cast %mul3A_289 : i32 to index
        %swap3A_291 = tpu.vector_load %arg15[%swap3A_290] {strides = array<i32>} : memref<8192xi32, #tpu.memory_space<vmem>>, vector<16xi32>,
        %swap3A_292 = vector.shape_cast %swap3A_291 : vector<16xi32> to vector<16xi32>
        %swap3A_293 = vector.shape_cast %select_n3A_287 : vector<16xi32> to vector<16xi32>
        tpu.vector_store %arg15[%swap3A_290], %swap3A_293 {strides = array<i32>} : memref<8192xi32, #tpu.memory_space<vmem>>, vector<16xi32>,
        %scan3A_294 = arith.constant 0 : i32
        %scan3A_295 = arith.constant 6 : i32
        %scan3A_296 = arith.addi %scan3A_119, %scan3A_295 : i32
        %mul3A_297 = arith.constant 16 : i32
        %mul3A_298 = arith.muli %scan3A_296, %mul3A_297 : i32
        %get3A_299 = arith.index_cast %mul3A_298 : i32 to index
        %get3A_300 = tpu.vector_load %arg13[%get3A_299] {strides = array<i32>} : memref<8192xi32, #tpu.memory_space<vmem>>, vector<16xi32>,
        %get3A_301 = vector.shape_cast %get3A_300 : vector<16xi32> to vector<16xi32>
        %sub3A_302 = vector.broadcast %sub3A_34 : i32 to vector<16xi32>
        %sub3A_303 = arith.subi %get3A_301, %sub3A_302 : vector<16xi32>
        %and3A_304 = arith.constant 2047 : i32
        %and3A_305 = vector.broadcast %and3A_304 : i32 to vector<16xi32>
        %and3A_306 = arith.andi %get3A_301, %and3A_305 : vector<16xi32>
        %lt3A_307 = arith.constant 2048 : i32
        %lt3A_308 = vector.broadcast %lt3A_307 : i32 to vector<16xi32>
        %lt3A_309 = arith.cmpi slt, %sub3A_303, %lt3A_308 : vector<16xi32>
        %select_n3A_310 = arith.select %lt3A_309, %and3A_306, %sub3A_303 : vector<16xi1>, vector<16xi32>
        %ge3A_311 = arith.constant 1050624 : i32
        %ge3A_312 = vector.broadcast %ge3A_311 : i32 to vector<16xi32>
        %ge3A_313 = arith.cmpi sge, %select_n3A_310, %ge3A_312 : vector<16xi32>
        %add3A_314 = arith.constant 1050624 : i32
        %add3A_315 = vector.broadcast %add3A_314 : i32 to vector<16xi32>
        %add3A_316 = arith.addi %add3A_315, %and3A_306 : vector<16xi32>
        %select_n3A_317 = arith.select %ge3A_313, %add3A_316, %select_n3A_310 : vector<16xi1>, vector<16xi32>
        %mul3A_318 = arith.constant 16 : i32
        %mul3A_319 = arith.muli %scan3A_296, %mul3A_318 : i32
        %swap3A_320 = arith.index_cast %mul3A_319 : i32 to index
        %swap3A_321 = tpu.vector_load %arg15[%swap3A_320] {strides = array<i32>} : memref<8192xi32, #tpu.memory_space<vmem>>, vector<16xi32>,
        %swap3A_322 = vector.shape_cast %swap3A_321 : vector<16xi32> to vector<16xi32>
        %swap3A_323 = vector.shape_cast %select_n3A_317 : vector<16xi32> to vector<16xi32>
        tpu.vector_store %arg15[%swap3A_320], %swap3A_323 {strides = array<i32>} : memref<8192xi32, #tpu.memory_space<vmem>>, vector<16xi32>,
        %scan3A_324 = arith.constant 0 : i32
        %scan3A_325 = arith.constant 7 : i32
        %scan3A_326 = arith.addi %scan3A_119, %scan3A_325 : i32
        %mul3A_327 = arith.constant 16 : i32
        %mul3A_328 = arith.muli %scan3A_326, %mul3A_327 : i32
        %get3A_329 = arith.index_cast %mul3A_328 : i32 to index
        %get3A_330 = tpu.vector_load %arg13[%get3A_329] {strides = array<i32>} : memref<8192xi32, #tpu.memory_space<vmem>>, vector<16xi32>,
        %get3A_331 = vector.shape_cast %get3A_330 : vector<16xi32> to vector<16xi32>
        %sub3A_332 = vector.broadcast %sub3A_34 : i32 to vector<16xi32>
        %sub3A_333 = arith.subi %get3A_331, %sub3A_332 : vector<16xi32>
        %and3A_334 = arith.constant 2047 : i32
        %and3A_335 = vector.broadcast %and3A_334 : i32 to vector<16xi32>
        %and3A_336 = arith.andi %get3A_331, %and3A_335 : vector<16xi32>
        %lt3A_337 = arith.constant 2048 : i32
        %lt3A_338 = vector.broadcast %lt3A_337 : i32 to vector<16xi32>
        %lt3A_339 = arith.cmpi slt, %sub3A_333, %lt3A_338 : vector<16xi32>
        %select_n3A_340 = arith.select %lt3A_339, %and3A_336, %sub3A_333 : vector<16xi1>, vector<16xi32>
        %ge3A_341 = arith.constant 1050624 : i32
        %ge3A_342 = vector.broadcast %ge3A_341 : i32 to vector<16xi32>
        %ge3A_343 = arith.cmpi sge, %select_n3A_340, %ge3A_342 : vector<16xi32>
        %add3A_344 = arith.constant 1050624 : i32
        %add3A_345 = vector.broadcast %add3A_344 : i32 to vector<16xi32>
        %add3A_346 = arith.addi %add3A_345, %and3A_336 : vector<16xi32>
        %select_n3A_347 = arith.select %ge3A_343, %add3A_346, %select_n3A_340 : vector<16xi1>, vector<16xi32>
        %mul3A_348 = arith.constant 16 : i32
        %mul3A_349 = arith.muli %scan3A_326, %mul3A_348 : i32
        %swap3A_350 = arith.index_cast %mul3A_349 : i32 to index
        %swap3A_351 = tpu.vector_load %arg15[%swap3A_350] {strides = array<i32>} : memref<8192xi32, #tpu.memory_space<vmem>>, vector<16xi32>,
        %swap3A_352 = vector.shape_cast %swap3A_351 : vector<16xi32> to vector<16xi32>
        %swap3A_353 = vector.shape_cast %select_n3A_347 : vector<16xi32> to vector<16xi32>
        tpu.vector_store %arg15[%swap3A_350], %swap3A_353 {strides = array<i32>} : memref<8192xi32, #tpu.memory_space<vmem>>, vector<16xi32>,
        %scan3A_354 = arith.constant 0 : i32
        scf.yield %scan3A_354 : i32
      }
      %scan3A_87 = arith.constant 512 : i32
      %dma_start3A_88 = arith.constant 0 : i32
      %dma_start3A_89 = tpu.memref_slice %arg21[%dma_start3A_88] : memref<1052672xf32, #tpu.memory_space<vmem_shared>> -> memref<1052672xf32, #tpu.memory_space<vmem_shared>>
      tpu.enqueue_indirect_dma source(%arg17 : memref<8192xf32, #tpu.memory_space<vmem>>) target(%dma_start3A_89 : memref<1052672xf32, #tpu.memory_space<vmem_shared>>) offsets(%arg15 : memref<8192xi32, #tpu.memory_space<vmem>>) semaphore(%arg24 : memref<!tpu.dma_semaphore, #tpu.memory_space<semaphore_mem>>) {add = true}
      %lt3A_90 = arith.constant 31 : i32
      %lt3A_91 = arith.cmpi slt, %scan3A_59, %lt3A_90 : i32
      %convert_element_type3A_92 = arith.extui %lt3A_91 : i1 to i32
      %cond3A_93 = arith.constant 0 : i32
      %cond3A_94 = arith.cmpi ne, %convert_element_type3A_92, %cond3A_93 : i32
      scf.if %cond3A_94 {
        %mul3A_119 = arith.constant 2 : i32
        %mul3A_120 = arith.muli %mul3A_119, %scan3A_59 : i32
        %add3A_121 = arith.constant 2 : i32
        %add3A_122 = arith.addi %mul3A_120, %add3A_121 : i32
        %mul3A_123 = arith.constant 8192 : i32
        %mul3A_124 = arith.muli %add3A_122, %mul3A_123 : i32
        %add3A_125 = arith.addi %mul3A_36, %mul3A_124 : i32
        %dma_start3A_126 = tpu.memref_slice %arg2[%add3A_125] : memref<8388608xi32, #tpu.memory_space<hbm>> -> memref<8192xi32, #tpu.memory_space<hbm>>
        %dma_start3A_127 = tpu.memref_slice %arg2[%add3A_125] : memref<8388608xi32, #tpu.memory_space<hbm>> -> memref<8192xi32, #tpu.memory_space<hbm>>
        tpu.enqueue_dma source(%dma_start3A_127 : memref<8192xi32, #tpu.memory_space<hbm>>) target(%arg13 : memref<8192xi32, #tpu.memory_space<vmem>>) target_semaphore(%arg23 : memref<!tpu.dma_semaphore, #tpu.memory_space<semaphore_mem>>)
      } else {
      }
      %mul3A_95 = arith.constant 2 : i32
      %mul3A_96 = arith.muli %mul3A_95, %scan3A_59 : i32
      %add3A_97 = arith.constant 1 : i32
      %add3A_98 = arith.addi %mul3A_96, %add3A_97 : i32
      %mul3A_99 = arith.constant 8192 : i32
      %mul3A_100 = arith.muli %add3A_98, %mul3A_99 : i32
      %add3A_101 = arith.addi %mul3A_36, %mul3A_100 : i32
      %dma_wait3A_102 = tpu.memref_slice %arg2[%add3A_101] : memref<8388608xi32, #tpu.memory_space<hbm>> -> memref<8192xi32, #tpu.memory_space<hbm>>
      %dma_wait3A_103 = tpu.memref_slice %arg2[%add3A_101] : memref<8388608xi32, #tpu.memory_space<hbm>> -> memref<8192xi32, #tpu.memory_space<hbm>>
      tpu.wait_dma2 semaphore(%arg23 : memref<!tpu.dma_semaphore, #tpu.memory_space<semaphore_mem>>) src(%dma_wait3A_103 : memref<8192xi32, #tpu.memory_space<hbm>>) dst(%arg14 : memref<8192xi32, #tpu.memory_space<vmem>>)
      %gt3A_104 = arith.constant 0 : i32
      %gt3A_105 = arith.cmpi sgt, %scan3A_59, %gt3A_104 : i32
      %convert_element_type3A_106 = arith.extui %gt3A_105 : i1 to i32
      %cond3A_107 = arith.constant 0 : i32
      %cond3A_108 = arith.cmpi ne, %convert_element_type3A_106, %cond3A_107 : i32
      scf.if %cond3A_108 {
        %dma_wait3A_119 = arith.constant 0 : i32
        %dma_wait3A_120 = tpu.memref_slice %arg21[%dma_wait3A_119] : memref<1052672xf32, #tpu.memory_space<vmem_shared>> -> memref<1052672xf32, #tpu.memory_space<vmem_shared>>
        tpu.wait_indirect_dma semaphore(%arg24 : memref<!tpu.dma_semaphore, #tpu.memory_space<semaphore_mem>>) src(%arg17 : memref<8192xf32, #tpu.memory_space<vmem>>) dst(%dma_wait3A_120 : memref<1052672xf32, #tpu.memory_space<vmem_shared>>)
      } else {
      }
      %scan3A_109 = arith.constant 0 : i32
      %scan3A_110 = arith.constant 0 : i32
      %scan3A_111 = arith.constant 512 : i32
      %scan3A_112 = arith.addi %scan3A_110, %scan3A_111 : i32
      %scan3A_113 = arith.constant 8 : i32
      %scan3A_114 = scf.for %scan3A_119 = %scan3A_110 to %scan3A_112 step %scan3A_113 iter_args(%scan3A_120 = %scan3A_109) -> (i32)  : i32 {
        %mul3A_121 = arith.constant 16 : i32
        %mul3A_122 = arith.muli %scan3A_119, %mul3A_121 : i32
        %get3A = arith.index_cast %mul3A_122 : i32 to index
        %get3A_123 = tpu.vector_load %arg14[%get3A] {strides = array<i32>} : memref<8192xi32, #tpu.memory_space<vmem>>, vector<16xi32>,
        %get3A_124 = vector.shape_cast %get3A_123 : vector<16xi32> to vector<16xi32>
        %sub3A_125 = vector.broadcast %sub3A_34 : i32 to vector<16xi32>
        %sub3A_126 = arith.subi %get3A_124, %sub3A_125 : vector<16xi32>
        %and3A_127 = arith.constant 2047 : i32
        %and3A_128 = vector.broadcast %and3A_127 : i32 to vector<16xi32>
        %and3A_129 = arith.andi %get3A_124, %and3A_128 : vector<16xi32>
        %lt3A_130 = arith.constant 2048 : i32
        %lt3A_131 = vector.broadcast %lt3A_130 : i32 to vector<16xi32>
        %lt3A_132 = arith.cmpi slt, %sub3A_126, %lt3A_131 : vector<16xi32>
        %select_n3A = arith.select %lt3A_132, %and3A_129, %sub3A_126 : vector<16xi1>, vector<16xi32>
        %ge3A = arith.constant 1050624 : i32
        %ge3A_133 = vector.broadcast %ge3A : i32 to vector<16xi32>
        %ge3A_134 = arith.cmpi sge, %select_n3A, %ge3A_133 : vector<16xi32>
        %add3A_135 = arith.constant 1050624 : i32
        %add3A_136 = vector.broadcast %add3A_135 : i32 to vector<16xi32>
        %add3A_137 = arith.addi %add3A_136, %and3A_129 : vector<16xi32>
        %select_n3A_138 = arith.select %ge3A_134, %add3A_137, %select_n3A : vector<16xi1>, vector<16xi32>
        %mul3A_139 = arith.constant 16 : i32
        %mul3A_140 = arith.muli %scan3A_119, %mul3A_139 : i32
        %swap3A = arith.index_cast %mul3A_140 : i32 to index
        %swap3A_141 = tpu.vector_load %arg16[%swap3A] {strides = array<i32>} : memref<8192xi32, #tpu.memory_space<vmem>>, vector<16xi32>,
        %swap3A_142 = vector.shape_cast %swap3A_141 : vector<16xi32> to vector<16xi32>
        %swap3A_143 = vector.shape_cast %select_n3A_138 : vector<16xi32> to vector<16xi32>
        tpu.vector_store %arg16[%swap3A], %swap3A_143 {strides = array<i32>} : memref<8192xi32, #tpu.memory_space<vmem>>, vector<16xi32>,
        %scan3A_144 = arith.constant 0 : i32
        %scan3A_145 = arith.constant 1 : i32
        %scan3A_146 = arith.addi %scan3A_119, %scan3A_145 : i32
        %mul3A_147 = arith.constant 16 : i32
        %mul3A_148 = arith.muli %scan3A_146, %mul3A_147 : i32
        %get3A_149 = arith.index_cast %mul3A_148 : i32 to index
        %get3A_150 = tpu.vector_load %arg14[%get3A_149] {strides = array<i32>} : memref<8192xi32, #tpu.memory_space<vmem>>, vector<16xi32>,
        %get3A_151 = vector.shape_cast %get3A_150 : vector<16xi32> to vector<16xi32>
        %sub3A_152 = vector.broadcast %sub3A_34 : i32 to vector<16xi32>
        %sub3A_153 = arith.subi %get3A_151, %sub3A_152 : vector<16xi32>
        %and3A_154 = arith.constant 2047 : i32
        %and3A_155 = vector.broadcast %and3A_154 : i32 to vector<16xi32>
        %and3A_156 = arith.andi %get3A_151, %and3A_155 : vector<16xi32>
        %lt3A_157 = arith.constant 2048 : i32
        %lt3A_158 = vector.broadcast %lt3A_157 : i32 to vector<16xi32>
        %lt3A_159 = arith.cmpi slt, %sub3A_153, %lt3A_158 : vector<16xi32>
        %select_n3A_160 = arith.select %lt3A_159, %and3A_156, %sub3A_153 : vector<16xi1>, vector<16xi32>
        %ge3A_161 = arith.constant 1050624 : i32
        %ge3A_162 = vector.broadcast %ge3A_161 : i32 to vector<16xi32>
        %ge3A_163 = arith.cmpi sge, %select_n3A_160, %ge3A_162 : vector<16xi32>
        %add3A_164 = arith.constant 1050624 : i32
        %add3A_165 = vector.broadcast %add3A_164 : i32 to vector<16xi32>
        %add3A_166 = arith.addi %add3A_165, %and3A_156 : vector<16xi32>
        %select_n3A_167 = arith.select %ge3A_163, %add3A_166, %select_n3A_160 : vector<16xi1>, vector<16xi32>
        %mul3A_168 = arith.constant 16 : i32
        %mul3A_169 = arith.muli %scan3A_146, %mul3A_168 : i32
        %swap3A_170 = arith.index_cast %mul3A_169 : i32 to index
        %swap3A_171 = tpu.vector_load %arg16[%swap3A_170] {strides = array<i32>} : memref<8192xi32, #tpu.memory_space<vmem>>, vector<16xi32>,
        %swap3A_172 = vector.shape_cast %swap3A_171 : vector<16xi32> to vector<16xi32>
        %swap3A_173 = vector.shape_cast %select_n3A_167 : vector<16xi32> to vector<16xi32>
        tpu.vector_store %arg16[%swap3A_170], %swap3A_173 {strides = array<i32>} : memref<8192xi32, #tpu.memory_space<vmem>>, vector<16xi32>,
        %scan3A_174 = arith.constant 0 : i32
        %scan3A_175 = arith.constant 2 : i32
        %scan3A_176 = arith.addi %scan3A_119, %scan3A_175 : i32
        %mul3A_177 = arith.constant 16 : i32
        %mul3A_178 = arith.muli %scan3A_176, %mul3A_177 : i32
        %get3A_179 = arith.index_cast %mul3A_178 : i32 to index
        %get3A_180 = tpu.vector_load %arg14[%get3A_179] {strides = array<i32>} : memref<8192xi32, #tpu.memory_space<vmem>>, vector<16xi32>,
        %get3A_181 = vector.shape_cast %get3A_180 : vector<16xi32> to vector<16xi32>
        %sub3A_182 = vector.broadcast %sub3A_34 : i32 to vector<16xi32>
        %sub3A_183 = arith.subi %get3A_181, %sub3A_182 : vector<16xi32>
        %and3A_184 = arith.constant 2047 : i32
        %and3A_185 = vector.broadcast %and3A_184 : i32 to vector<16xi32>
        %and3A_186 = arith.andi %get3A_181, %and3A_185 : vector<16xi32>
        %lt3A_187 = arith.constant 2048 : i32
        %lt3A_188 = vector.broadcast %lt3A_187 : i32 to vector<16xi32>
        %lt3A_189 = arith.cmpi slt, %sub3A_183, %lt3A_188 : vector<16xi32>
        %select_n3A_190 = arith.select %lt3A_189, %and3A_186, %sub3A_183 : vector<16xi1>, vector<16xi32>
        %ge3A_191 = arith.constant 1050624 : i32
        %ge3A_192 = vector.broadcast %ge3A_191 : i32 to vector<16xi32>
        %ge3A_193 = arith.cmpi sge, %select_n3A_190, %ge3A_192 : vector<16xi32>
        %add3A_194 = arith.constant 1050624 : i32
        %add3A_195 = vector.broadcast %add3A_194 : i32 to vector<16xi32>
        %add3A_196 = arith.addi %add3A_195, %and3A_186 : vector<16xi32>
        %select_n3A_197 = arith.select %ge3A_193, %add3A_196, %select_n3A_190 : vector<16xi1>, vector<16xi32>
        %mul3A_198 = arith.constant 16 : i32
        %mul3A_199 = arith.muli %scan3A_176, %mul3A_198 : i32
        %swap3A_200 = arith.index_cast %mul3A_199 : i32 to index
        %swap3A_201 = tpu.vector_load %arg16[%swap3A_200] {strides = array<i32>} : memref<8192xi32, #tpu.memory_space<vmem>>, vector<16xi32>,
        %swap3A_202 = vector.shape_cast %swap3A_201 : vector<16xi32> to vector<16xi32>
        %swap3A_203 = vector.shape_cast %select_n3A_197 : vector<16xi32> to vector<16xi32>
        tpu.vector_store %arg16[%swap3A_200], %swap3A_203 {strides = array<i32>} : memref<8192xi32, #tpu.memory_space<vmem>>, vector<16xi32>,
        %scan3A_204 = arith.constant 0 : i32
        %scan3A_205 = arith.constant 3 : i32
        %scan3A_206 = arith.addi %scan3A_119, %scan3A_205 : i32
        %mul3A_207 = arith.constant 16 : i32
        %mul3A_208 = arith.muli %scan3A_206, %mul3A_207 : i32
        %get3A_209 = arith.index_cast %mul3A_208 : i32 to index
        %get3A_210 = tpu.vector_load %arg14[%get3A_209] {strides = array<i32>} : memref<8192xi32, #tpu.memory_space<vmem>>, vector<16xi32>,
        %get3A_211 = vector.shape_cast %get3A_210 : vector<16xi32> to vector<16xi32>
        %sub3A_212 = vector.broadcast %sub3A_34 : i32 to vector<16xi32>
        %sub3A_213 = arith.subi %get3A_211, %sub3A_212 : vector<16xi32>
        %and3A_214 = arith.constant 2047 : i32
        %and3A_215 = vector.broadcast %and3A_214 : i32 to vector<16xi32>
        %and3A_216 = arith.andi %get3A_211, %and3A_215 : vector<16xi32>
        %lt3A_217 = arith.constant 2048 : i32
        %lt3A_218 = vector.broadcast %lt3A_217 : i32 to vector<16xi32>
        %lt3A_219 = arith.cmpi slt, %sub3A_213, %lt3A_218 : vector<16xi32>
        %select_n3A_220 = arith.select %lt3A_219, %and3A_216, %sub3A_213 : vector<16xi1>, vector<16xi32>
        %ge3A_221 = arith.constant 1050624 : i32
        %ge3A_222 = vector.broadcast %ge3A_221 : i32 to vector<16xi32>
        %ge3A_223 = arith.cmpi sge, %select_n3A_220, %ge3A_222 : vector<16xi32>
        %add3A_224 = arith.constant 1050624 : i32
        %add3A_225 = vector.broadcast %add3A_224 : i32 to vector<16xi32>
        %add3A_226 = arith.addi %add3A_225, %and3A_216 : vector<16xi32>
        %select_n3A_227 = arith.select %ge3A_223, %add3A_226, %select_n3A_220 : vector<16xi1>, vector<16xi32>
        %mul3A_228 = arith.constant 16 : i32
        %mul3A_229 = arith.muli %scan3A_206, %mul3A_228 : i32
        %swap3A_230 = arith.index_cast %mul3A_229 : i32 to index
        %swap3A_231 = tpu.vector_load %arg16[%swap3A_230] {strides = array<i32>} : memref<8192xi32, #tpu.memory_space<vmem>>, vector<16xi32>,
        %swap3A_232 = vector.shape_cast %swap3A_231 : vector<16xi32> to vector<16xi32>
        %swap3A_233 = vector.shape_cast %select_n3A_227 : vector<16xi32> to vector<16xi32>
        tpu.vector_store %arg16[%swap3A_230], %swap3A_233 {strides = array<i32>} : memref<8192xi32, #tpu.memory_space<vmem>>, vector<16xi32>,
        %scan3A_234 = arith.constant 0 : i32
        %scan3A_235 = arith.constant 4 : i32
        %scan3A_236 = arith.addi %scan3A_119, %scan3A_235 : i32
        %mul3A_237 = arith.constant 16 : i32
        %mul3A_238 = arith.muli %scan3A_236, %mul3A_237 : i32
        %get3A_239 = arith.index_cast %mul3A_238 : i32 to index
        %get3A_240 = tpu.vector_load %arg14[%get3A_239] {strides = array<i32>} : memref<8192xi32, #tpu.memory_space<vmem>>, vector<16xi32>,
        %get3A_241 = vector.shape_cast %get3A_240 : vector<16xi32> to vector<16xi32>
        %sub3A_242 = vector.broadcast %sub3A_34 : i32 to vector<16xi32>
        %sub3A_243 = arith.subi %get3A_241, %sub3A_242 : vector<16xi32>
        %and3A_244 = arith.constant 2047 : i32
        %and3A_245 = vector.broadcast %and3A_244 : i32 to vector<16xi32>
        %and3A_246 = arith.andi %get3A_241, %and3A_245 : vector<16xi32>
        %lt3A_247 = arith.constant 2048 : i32
        %lt3A_248 = vector.broadcast %lt3A_247 : i32 to vector<16xi32>
        %lt3A_249 = arith.cmpi slt, %sub3A_243, %lt3A_248 : vector<16xi32>
        %select_n3A_250 = arith.select %lt3A_249, %and3A_246, %sub3A_243 : vector<16xi1>, vector<16xi32>
        %ge3A_251 = arith.constant 1050624 : i32
        %ge3A_252 = vector.broadcast %ge3A_251 : i32 to vector<16xi32>
        %ge3A_253 = arith.cmpi sge, %select_n3A_250, %ge3A_252 : vector<16xi32>
        %add3A_254 = arith.constant 1050624 : i32
        %add3A_255 = vector.broadcast %add3A_254 : i32 to vector<16xi32>
        %add3A_256 = arith.addi %add3A_255, %and3A_246 : vector<16xi32>
        %select_n3A_257 = arith.select %ge3A_253, %add3A_256, %select_n3A_250 : vector<16xi1>, vector<16xi32>
        %mul3A_258 = arith.constant 16 : i32
        %mul3A_259 = arith.muli %scan3A_236, %mul3A_258 : i32
        %swap3A_260 = arith.index_cast %mul3A_259 : i32 to index
        %swap3A_261 = tpu.vector_load %arg16[%swap3A_260] {strides = array<i32>} : memref<8192xi32, #tpu.memory_space<vmem>>, vector<16xi32>,
        %swap3A_262 = vector.shape_cast %swap3A_261 : vector<16xi32> to vector<16xi32>
        %swap3A_263 = vector.shape_cast %select_n3A_257 : vector<16xi32> to vector<16xi32>
        tpu.vector_store %arg16[%swap3A_260], %swap3A_263 {strides = array<i32>} : memref<8192xi32, #tpu.memory_space<vmem>>, vector<16xi32>,
        %scan3A_264 = arith.constant 0 : i32
        %scan3A_265 = arith.constant 5 : i32
        %scan3A_266 = arith.addi %scan3A_119, %scan3A_265 : i32
        %mul3A_267 = arith.constant 16 : i32
        %mul3A_268 = arith.muli %scan3A_266, %mul3A_267 : i32
        %get3A_269 = arith.index_cast %mul3A_268 : i32 to index
        %get3A_270 = tpu.vector_load %arg14[%get3A_269] {strides = array<i32>} : memref<8192xi32, #tpu.memory_space<vmem>>, vector<16xi32>,
        %get3A_271 = vector.shape_cast %get3A_270 : vector<16xi32> to vector<16xi32>
        %sub3A_272 = vector.broadcast %sub3A_34 : i32 to vector<16xi32>
        %sub3A_273 = arith.subi %get3A_271, %sub3A_272 : vector<16xi32>
        %and3A_274 = arith.constant 2047 : i32
        %and3A_275 = vector.broadcast %and3A_274 : i32 to vector<16xi32>
        %and3A_276 = arith.andi %get3A_271, %and3A_275 : vector<16xi32>
        %lt3A_277 = arith.constant 2048 : i32
        %lt3A_278 = vector.broadcast %lt3A_277 : i32 to vector<16xi32>
        %lt3A_279 = arith.cmpi slt, %sub3A_273, %lt3A_278 : vector<16xi32>
        %select_n3A_280 = arith.select %lt3A_279, %and3A_276, %sub3A_273 : vector<16xi1>, vector<16xi32>
        %ge3A_281 = arith.constant 1050624 : i32
        %ge3A_282 = vector.broadcast %ge3A_281 : i32 to vector<16xi32>
        %ge3A_283 = arith.cmpi sge, %select_n3A_280, %ge3A_282 : vector<16xi32>
        %add3A_284 = arith.constant 1050624 : i32
        %add3A_285 = vector.broadcast %add3A_284 : i32 to vector<16xi32>
        %add3A_286 = arith.addi %add3A_285, %and3A_276 : vector<16xi32>
        %select_n3A_287 = arith.select %ge3A_283, %add3A_286, %select_n3A_280 : vector<16xi1>, vector<16xi32>
        %mul3A_288 = arith.constant 16 : i32
        %mul3A_289 = arith.muli %scan3A_266, %mul3A_288 : i32
        %swap3A_290 = arith.index_cast %mul3A_289 : i32 to index
        %swap3A_291 = tpu.vector_load %arg16[%swap3A_290] {strides = array<i32>} : memref<8192xi32, #tpu.memory_space<vmem>>, vector<16xi32>,
        %swap3A_292 = vector.shape_cast %swap3A_291 : vector<16xi32> to vector<16xi32>
        %swap3A_293 = vector.shape_cast %select_n3A_287 : vector<16xi32> to vector<16xi32>
        tpu.vector_store %arg16[%swap3A_290], %swap3A_293 {strides = array<i32>} : memref<8192xi32, #tpu.memory_space<vmem>>, vector<16xi32>,
        %scan3A_294 = arith.constant 0 : i32
        %scan3A_295 = arith.constant 6 : i32
        %scan3A_296 = arith.addi %scan3A_119, %scan3A_295 : i32
        %mul3A_297 = arith.constant 16 : i32
        %mul3A_298 = arith.muli %scan3A_296, %mul3A_297 : i32
        %get3A_299 = arith.index_cast %mul3A_298 : i32 to index
        %get3A_300 = tpu.vector_load %arg14[%get3A_299] {strides = array<i32>} : memref<8192xi32, #tpu.memory_space<vmem>>, vector<16xi32>,
        %get3A_301 = vector.shape_cast %get3A_300 : vector<16xi32> to vector<16xi32>
        %sub3A_302 = vector.broadcast %sub3A_34 : i32 to vector<16xi32>
        %sub3A_303 = arith.subi %get3A_301, %sub3A_302 : vector<16xi32>
        %and3A_304 = arith.constant 2047 : i32
        %and3A_305 = vector.broadcast %and3A_304 : i32 to vector<16xi32>
        %and3A_306 = arith.andi %get3A_301, %and3A_305 : vector<16xi32>
        %lt3A_307 = arith.constant 2048 : i32
        %lt3A_308 = vector.broadcast %lt3A_307 : i32 to vector<16xi32>
        %lt3A_309 = arith.cmpi slt, %sub3A_303, %lt3A_308 : vector<16xi32>
        %select_n3A_310 = arith.select %lt3A_309, %and3A_306, %sub3A_303 : vector<16xi1>, vector<16xi32>
        %ge3A_311 = arith.constant 1050624 : i32
        %ge3A_312 = vector.broadcast %ge3A_311 : i32 to vector<16xi32>
        %ge3A_313 = arith.cmpi sge, %select_n3A_310, %ge3A_312 : vector<16xi32>
        %add3A_314 = arith.constant 1050624 : i32
        %add3A_315 = vector.broadcast %add3A_314 : i32 to vector<16xi32>
        %add3A_316 = arith.addi %add3A_315, %and3A_306 : vector<16xi32>
        %select_n3A_317 = arith.select %ge3A_313, %add3A_316, %select_n3A_310 : vector<16xi1>, vector<16xi32>
        %mul3A_318 = arith.constant 16 : i32
        %mul3A_319 = arith.muli %scan3A_296, %mul3A_318 : i32
        %swap3A_320 = arith.index_cast %mul3A_319 : i32 to index
        %swap3A_321 = tpu.vector_load %arg16[%swap3A_320] {strides = array<i32>} : memref<8192xi32, #tpu.memory_space<vmem>>, vector<16xi32>,
        %swap3A_322 = vector.shape_cast %swap3A_321 : vector<16xi32> to vector<16xi32>
        %swap3A_323 = vector.shape_cast %select_n3A_317 : vector<16xi32> to vector<16xi32>
        tpu.vector_store %arg16[%swap3A_320], %swap3A_323 {strides = array<i32>} : memref<8192xi32, #tpu.memory_space<vmem>>, vector<16xi32>,
        %scan3A_324 = arith.constant 0 : i32
        %scan3A_325 = arith.constant 7 : i32
        %scan3A_326 = arith.addi %scan3A_119, %scan3A_325 : i32
        %mul3A_327 = arith.constant 16 : i32
        %mul3A_328 = arith.muli %scan3A_326, %mul3A_327 : i32
        %get3A_329 = arith.index_cast %mul3A_328 : i32 to index
        %get3A_330 = tpu.vector_load %arg14[%get3A_329] {strides = array<i32>} : memref<8192xi32, #tpu.memory_space<vmem>>, vector<16xi32>,
        %get3A_331 = vector.shape_cast %get3A_330 : vector<16xi32> to vector<16xi32>
        %sub3A_332 = vector.broadcast %sub3A_34 : i32 to vector<16xi32>
        %sub3A_333 = arith.subi %get3A_331, %sub3A_332 : vector<16xi32>
        %and3A_334 = arith.constant 2047 : i32
        %and3A_335 = vector.broadcast %and3A_334 : i32 to vector<16xi32>
        %and3A_336 = arith.andi %get3A_331, %and3A_335 : vector<16xi32>
        %lt3A_337 = arith.constant 2048 : i32
        %lt3A_338 = vector.broadcast %lt3A_337 : i32 to vector<16xi32>
        %lt3A_339 = arith.cmpi slt, %sub3A_333, %lt3A_338 : vector<16xi32>
        %select_n3A_340 = arith.select %lt3A_339, %and3A_336, %sub3A_333 : vector<16xi1>, vector<16xi32>
        %ge3A_341 = arith.constant 1050624 : i32
        %ge3A_342 = vector.broadcast %ge3A_341 : i32 to vector<16xi32>
        %ge3A_343 = arith.cmpi sge, %select_n3A_340, %ge3A_342 : vector<16xi32>
        %add3A_344 = arith.constant 1050624 : i32
        %add3A_345 = vector.broadcast %add3A_344 : i32 to vector<16xi32>
        %add3A_346 = arith.addi %add3A_345, %and3A_336 : vector<16xi32>
        %select_n3A_347 = arith.select %ge3A_343, %add3A_346, %select_n3A_340 : vector<16xi1>, vector<16xi32>
        %mul3A_348 = arith.constant 16 : i32
        %mul3A_349 = arith.muli %scan3A_326, %mul3A_348 : i32
        %swap3A_350 = arith.index_cast %mul3A_349 : i32 to index
        %swap3A_351 = tpu.vector_load %arg16[%swap3A_350] {strides = array<i32>} : memref<8192xi32, #tpu.memory_space<vmem>>, vector<16xi32>,
        %swap3A_352 = vector.shape_cast %swap3A_351 : vector<16xi32> to vector<16xi32>
        %swap3A_353 = vector.shape_cast %select_n3A_347 : vector<16xi32> to vector<16xi32>
        tpu.vector_store %arg16[%swap3A_350], %swap3A_353 {strides = array<i32>} : memref<8192xi32, #tpu.memory_space<vmem>>, vector<16xi32>,
        %scan3A_354 = arith.constant 0 : i32
        scf.yield %scan3A_354 : i32
      }
      %scan3A_115 = arith.constant 512 : i32
      %dma_start3A_116 = arith.constant 0 : i32
      %dma_start3A_117 = tpu.memref_slice %arg21[%dma_start3A_116] : memref<1052672xf32, #tpu.memory_space<vmem_shared>> -> memref<1052672xf32, #tpu.memory_space<vmem_shared>>
      tpu.enqueue_indirect_dma source(%arg17 : memref<8192xf32, #tpu.memory_space<vmem>>) target(%dma_start3A_117 : memref<1052672xf32, #tpu.memory_space<vmem_shared>>) offsets(%arg16 : memref<8192xi32, #tpu.memory_space<vmem>>) semaphore(%arg24 : memref<!tpu.dma_semaphore, #tpu.memory_space<semaphore_mem>>) {add = true}
      %scan3A_118 = arith.constant 0 : i32
      scf.yield %scan3A_118 : i32
    }
    %scan3A_45 = arith.constant 32 : i32
    %dma_wait3A = arith.constant 0 : i32
    %dma_wait3A_46 = tpu.memref_slice %arg21[%dma_wait3A] : memref<1052672xf32, #tpu.memory_space<vmem_shared>> -> memref<1052672xf32, #tpu.memory_space<vmem_shared>>
    tpu.wait_indirect_dma semaphore(%arg24 : memref<!tpu.dma_semaphore, #tpu.memory_space<semaphore_mem>>) src(%arg17 : memref<8192xf32, #tpu.memory_space<vmem>>) dst(%dma_wait3A_46 : memref<1052672xf32, #tpu.memory_space<vmem_shared>>)
    %dma_wait3A_47 = arith.constant 0 : i32
    %dma_wait3A_48 = tpu.memref_slice %arg21[%dma_wait3A_47] : memref<1052672xf32, #tpu.memory_space<vmem_shared>> -> memref<1052672xf32, #tpu.memory_space<vmem_shared>>
    tpu.wait_indirect_dma semaphore(%arg24 : memref<!tpu.dma_semaphore, #tpu.memory_space<semaphore_mem>>) src(%arg17 : memref<8192xf32, #tpu.memory_space<vmem>>) dst(%dma_wait3A_48 : memref<1052672xf32, #tpu.memory_space<vmem_shared>>)
    %barrier3A_49 = arith.constant 0 : index
    tpu.barrier barrier_id(%barrier3A_49)
    %mul3A_50 = arith.constant 65536 : i32
    %mul3A_51 = arith.muli %arg1, %mul3A_50 : i32
    %add3A_52 = arith.constant 2048 : i32
    %add3A_53 = arith.addi %add3A_52, %mul3A_51 : i32
    %mul3A_54 = arith.constant 1048576 : i32
    %mul3A_55 = arith.muli %arg0, %mul3A_54 : i32
    %mul3A_56 = arith.constant 65536 : i32
    %mul3A_57 = arith.muli %arg1, %mul3A_56 : i32
    %add3A_58 = arith.addi %mul3A_55, %mul3A_57 : i32
    "tpu.region"() ({
      %run_scoped3A = tpu.sem_alloc : memref<!tpu.dma_semaphore, #tpu.memory_space<semaphore_mem>>
      %dma_start3A_59 = tpu.memref_slice %arg8[%add3A_58] : memref<2097152xf32, #tpu.memory_space<hbm>> -> memref<65536xf32, #tpu.memory_space<hbm>>
      %dma_start3A_60 = tpu.memref_slice %arg21[%add3A_53] : memref<1052672xf32, #tpu.memory_space<vmem_shared>> -> memref<65536xf32, #tpu.memory_space<vmem_shared>>
      tpu.enqueue_dma source(%dma_start3A_60 : memref<65536xf32, #tpu.memory_space<vmem_shared>>) target(%dma_start3A_59 : memref<65536xf32, #tpu.memory_space<hbm>>) target_semaphore(%run_scoped3A : memref<!tpu.dma_semaphore, #tpu.memory_space<semaphore_mem>>)
      %dma_wait3A_61 = tpu.memref_slice %arg8[%add3A_58] : memref<2097152xf32, #tpu.memory_space<hbm>> -> memref<65536xf32, #tpu.memory_space<hbm>>
      %dma_wait3A_62 = tpu.memref_slice %arg21[%add3A_53] : memref<1052672xf32, #tpu.memory_space<vmem_shared>> -> memref<65536xf32, #tpu.memory_space<vmem_shared>>
      tpu.wait_dma2 semaphore(%run_scoped3A : memref<!tpu.dma_semaphore, #tpu.memory_space<semaphore_mem>>) src(%dma_wait3A_62 : memref<65536xf32, #tpu.memory_space<vmem_shared>>) dst(%dma_wait3A_61 : memref<65536xf32, #tpu.memory_space<hbm>>)
      tpu.yield
    }) : () -> ()
    return
  }
}

module attributes {stable_mosaic.version = 14 : i64} {
  func.func @_tc_body(%arg0: i32, %arg1: memref<262144xf32, #tpu.memory_space<vmem>>, %arg2: memref<128x1xi32, #tpu.memory_space<vmem>>, %arg3: memref<128x1xf32, #tpu.memory_space<vmem>>, %arg4: memref<1x2048xf32, #tpu.memory_space<vmem>>, %arg5: memref<32x2048xf32, #tpu.memory_space<vmem>>, %arg6: memref<128x2048xf32, #tpu.memory_space<vmem>>) attributes {dimension_semantics = [#tpu.dimension_semantics<arbitrary>], iteration_bounds = array<i64: 8>, scalar_prefetch = 0 : i64, scratch_operands = 0 : i64, tpu.core_type = #tpu.core_type<tc>, window_params = [{transform_indices = @transform_0, window_bounds = array<i64: 262144>}, {transform_indices = @transform_1, window_bounds = array<i64: 128, 1>}, {transform_indices = @transform_2, window_bounds = array<i64: 128, 1>}, {pipeline_mode = #tpu.pipeline_mode<synchronous>, transform_indices = @transform_3, window_bounds = array<i64: 1, 2048>}, {pipeline_mode = #tpu.pipeline_mode<synchronous>, transform_indices = @transform_4, window_bounds = array<i64: 32, 2048>}, {transform_indices = @transform_5, window_bounds = array<i64: 128, 2048>}]} {
    %get3A = arith.constant 0 : index
    %get3A_0 = vector.load %arg1[%get3A] : memref<262144xf32, #tpu.memory_space<vmem>>, vector<262144xf32>
    %reshape3A = vector.shape_cast %get3A_0 : vector<262144xf32> to vector<128x2048xf32>
    %get3A_1 = arith.constant 0 : index
    %get3A_2 = arith.constant 0 : index
    %get3A_3 = vector.load %arg2[%get3A_1, %get3A_2] : memref<128x1xi32, #tpu.memory_space<vmem>>, vector<128x1xi32>
    %iota3A = tpu.iota {dimensions = array<i32: 1>} : vector<128x32xi32>
    %eq3A = vector.broadcast %get3A_3 : vector<128x1xi32> to vector<128x32xi32>
    %eq3A_4 = arith.cmpi eq, %iota3A, %eq3A : vector<128x32xi32>
    %convert_element_type3A = arith.extui %eq3A_4 : vector<128x32xi1> to vector<128x32xi32>
    %convert_element_type3A_5 = arith.sitofp %convert_element_type3A : vector<128x32xi32> to vector<128x32xf32>
    %get3A_6 = arith.constant 0 : index
    %get3A_7 = arith.constant 0 : index
    %get3A_8 = vector.load %arg5[%get3A_6, %get3A_7] : memref<32x2048xf32, #tpu.memory_space<vmem>>, vector<32x2048xf32>
    %dot_general3A = arith.constant dense<0.000000e+00> : vector<128x2048xf32>
    %dot_general3A_9 = tpu.matmul %convert_element_type3A_5, %get3A_8, %dot_general3A {dimension_numbers = #tpu.dot_dimension_numbers<[1], [0], [0], [1], [0, 0, 1, 1], [], []>, transpose_lhs_hint = false} : vector<128x32xf32>, vector<32x2048xf32>, vector<128x2048xf32> -> vector<128x2048xf32>
    %get3A_10 = arith.constant 0 : index
    %get3A_11 = arith.constant 0 : index
    %get3A_12 = vector.load %arg4[%get3A_10, %get3A_11] : memref<1x2048xf32, #tpu.memory_space<vmem>>, vector<1x2048xf32>
    %add3A = vector.broadcast %get3A_12 : vector<1x2048xf32> to vector<128x2048xf32>
    %add3A_13 = arith.addf %dot_general3A_9, %add3A : vector<128x2048xf32>
    %get3A_14 = arith.constant 0 : index
    %get3A_15 = arith.constant 0 : index
    %get3A_16 = vector.load %arg3[%get3A_14, %get3A_15] : memref<128x1xf32, #tpu.memory_space<vmem>>, vector<128x1xf32>
    %add3A_17 = vector.broadcast %get3A_16 : vector<128x1xf32> to vector<128x2048xf32>
    %add3A_18 = arith.addf %add3A_13, %add3A_17 : vector<128x2048xf32>
    %exp3A = math.exp %add3A_18 : vector<128x2048xf32>
    %max3A = arith.constant 8.000000e+00 : f32
    %max3A_19 = vector.broadcast %max3A : f32 to vector<128x2048xf32>
    %max3A_20 = arith.maximumf %reshape3A, %max3A_19 : vector<128x2048xf32>
    %add3A_21 = arith.constant 1.000000e+00 : f32
    %add3A_22 = vector.broadcast %add3A_21 : f32 to vector<128x2048xf32>
    %add3A_23 = arith.addf %max3A_20, %add3A_22 : vector<128x2048xf32>
    %div3A = arith.constant 1.000000e+00 : f32
    %div3A_24 = vector.broadcast %div3A : f32 to vector<128x2048xf32>
    %div3A_25 = arith.divf %div3A_24, %add3A_23 : vector<128x2048xf32>
    %sub3A = arith.constant 5.000000e-01 : f32
    %sub3A_26 = vector.broadcast %sub3A : f32 to vector<128x2048xf32>
    %sub3A_27 = arith.subf %add3A_23, %sub3A_26 : vector<128x2048xf32>
    %log3A = math.log %add3A_23 : vector<128x2048xf32>
    %mul3A = arith.mulf %sub3A_27, %log3A : vector<128x2048xf32>
    %sub3A_28 = arith.subf %mul3A, %add3A_23 : vector<128x2048xf32>
    %add3A_29 = arith.constant 0.918938517 : f32
    %add3A_30 = vector.broadcast %add3A_29 : f32 to vector<128x2048xf32>
    %add3A_31 = arith.addf %sub3A_28, %add3A_30 : vector<128x2048xf32>
    %mul3A_32 = arith.constant 0.00277777785 : f32
    %mul3A_33 = vector.broadcast %mul3A_32 : f32 to vector<128x2048xf32>
    %mul3A_34 = arith.mulf %mul3A_33, %div3A_25 : vector<128x2048xf32>
    %mul3A_35 = arith.mulf %mul3A_34, %div3A_25 : vector<128x2048xf32>
    %sub3A_36 = arith.constant 0.0833333358 : f32
    %sub3A_37 = vector.broadcast %sub3A_36 : f32 to vector<128x2048xf32>
    %sub3A_38 = arith.subf %sub3A_37, %mul3A_35 : vector<128x2048xf32>
    %mul3A_39 = arith.mulf %div3A_25, %sub3A_38 : vector<128x2048xf32>
    %add3A_40 = arith.addf %add3A_31, %mul3A_39 : vector<128x2048xf32>
    %le3A = arith.constant 7.500000e+00 : f32
    %le3A_41 = vector.broadcast %le3A : f32 to vector<128x2048xf32>
    %le3A_42 = arith.cmpf ole, %reshape3A, %le3A_41 : vector<128x2048xf32>
    %jit3A = arith.constant 8.52516174 : f32
    %broadcast_in_dim3A = vector.broadcast %jit3A : f32 to vector<128x2048xf32>
    %select_n3A = arith.select %le3A_42, %broadcast_in_dim3A, %add3A_40 : vector<128x2048xi1>, vector<128x2048xf32>
    %le3A_43 = arith.constant 6.500000e+00 : f32
    %le3A_44 = vector.broadcast %le3A_43 : f32 to vector<128x2048xf32>
    %le3A_45 = arith.cmpf ole, %reshape3A, %le3A_44 : vector<128x2048xf32>
    %jit3A_46 = arith.constant 6.57925128 : f32
    %broadcast_in_dim3A_47 = vector.broadcast %jit3A_46 : f32 to vector<128x2048xf32>
    %select_n3A_48 = arith.select %le3A_45, %broadcast_in_dim3A_47, %select_n3A : vector<128x2048xi1>, vector<128x2048xf32>
    %le3A_49 = arith.constant 5.500000e+00 : f32
    %le3A_50 = vector.broadcast %le3A_49 : f32 to vector<128x2048xf32>
    %le3A_51 = arith.cmpf ole, %reshape3A, %le3A_50 : vector<128x2048xf32>
    %jit3A_52 = arith.constant 4.7874918 : f32
    %broadcast_in_dim3A_53 = vector.broadcast %jit3A_52 : f32 to vector<128x2048xf32>
    %select_n3A_54 = arith.select %le3A_51, %broadcast_in_dim3A_53, %select_n3A_48 : vector<128x2048xi1>, vector<128x2048xf32>
    %le3A_55 = arith.constant 4.500000e+00 : f32
    %le3A_56 = vector.broadcast %le3A_55 : f32 to vector<128x2048xf32>
    %le3A_57 = arith.cmpf ole, %reshape3A, %le3A_56 : vector<128x2048xf32>
    %jit3A_58 = arith.constant 3.17805386 : f32
    %broadcast_in_dim3A_59 = vector.broadcast %jit3A_58 : f32 to vector<128x2048xf32>
    %select_n3A_60 = arith.select %le3A_57, %broadcast_in_dim3A_59, %select_n3A_54 : vector<128x2048xi1>, vector<128x2048xf32>
    %le3A_61 = arith.constant 3.500000e+00 : f32
    %le3A_62 = vector.broadcast %le3A_61 : f32 to vector<128x2048xf32>
    %le3A_63 = arith.cmpf ole, %reshape3A, %le3A_62 : vector<128x2048xf32>
    %jit3A_64 = arith.constant 1.79175949 : f32
    %broadcast_in_dim3A_65 = vector.broadcast %jit3A_64 : f32 to vector<128x2048xf32>
    %select_n3A_66 = arith.select %le3A_63, %broadcast_in_dim3A_65, %select_n3A_60 : vector<128x2048xi1>, vector<128x2048xf32>
    %le3A_67 = arith.constant 2.500000e+00 : f32
    %le3A_68 = vector.broadcast %le3A_67 : f32 to vector<128x2048xf32>
    %le3A_69 = arith.cmpf ole, %reshape3A, %le3A_68 : vector<128x2048xf32>
    %jit3A_70 = arith.constant 0.693147182 : f32
    %broadcast_in_dim3A_71 = vector.broadcast %jit3A_70 : f32 to vector<128x2048xf32>
    %select_n3A_72 = arith.select %le3A_69, %broadcast_in_dim3A_71, %select_n3A_66 : vector<128x2048xi1>, vector<128x2048xf32>
    %le3A_73 = arith.constant 1.500000e+00 : f32
    %le3A_74 = vector.broadcast %le3A_73 : f32 to vector<128x2048xf32>
    %le3A_75 = arith.cmpf ole, %reshape3A, %le3A_74 : vector<128x2048xf32>
    %jit3A_76 = arith.constant 0.000000e+00 : f32
    %broadcast_in_dim3A_77 = vector.broadcast %jit3A_76 : f32 to vector<128x2048xf32>
    %select_n3A_78 = arith.select %le3A_75, %broadcast_in_dim3A_77, %select_n3A_72 : vector<128x2048xi1>, vector<128x2048xf32>
    %le3A_79 = arith.constant 5.000000e-01 : f32
    %le3A_80 = vector.broadcast %le3A_79 : f32 to vector<128x2048xf32>
    %le3A_81 = arith.cmpf ole, %reshape3A, %le3A_80 : vector<128x2048xf32>
    %jit3A_82 = arith.constant 0.000000e+00 : f32
    %broadcast_in_dim3A_83 = vector.broadcast %jit3A_82 : f32 to vector<128x2048xf32>
    %select_n3A_84 = arith.select %le3A_81, %broadcast_in_dim3A_83, %select_n3A_78 : vector<128x2048xi1>, vector<128x2048xf32>
    %mul3A_85 = arith.mulf %reshape3A, %add3A_18 : vector<128x2048xf32>
    %sub3A_86 = arith.subf %mul3A_85, %exp3A : vector<128x2048xf32>
    %sub3A_87 = arith.subf %sub3A_86, %select_n3A_84 : vector<128x2048xf32>
    %swap3A = arith.constant 0 : index
    %swap3A_88 = arith.constant 0 : index
    %swap3A_89 = vector.load %arg6[%swap3A, %swap3A_88] : memref<128x2048xf32, #tpu.memory_space<vmem>>, vector<128x2048xf32>
    tpu.vector_store %arg6[%swap3A, %swap3A_88], %sub3A_87 {strides = array<i32>} : memref<128x2048xf32, #tpu.memory_space<vmem>>, vector<128x2048xf32>,
    return
  }
  func.func @transform_0(%arg0: i32) -> i32 {
    %c0_i32 = arith.constant 0 : i32
    return %arg0 : i32
  }
  func.func @transform_1(%arg0: i32) -> (i32, i32) {
    %c0_i32 = arith.constant 0 : i32
    %c0_i32_0 = arith.constant 0 : i32
    return %arg0, %c0_i32 : i32, i32
  }
  func.func @transform_2(%arg0: i32) -> (i32, i32) {
    %c0_i32 = arith.constant 0 : i32
    %c0_i32_0 = arith.constant 0 : i32
    return %arg0, %c0_i32 : i32, i32
  }
  func.func @transform_3(%arg0: i32) -> (i32, i32) {
    %c0_i32 = arith.constant 0 : i32
    %c0_i32_0 = arith.constant 0 : i32
    %c0_i32_1 = arith.constant 0 : i32
    return %c0_i32, %c0_i32_0 : i32, i32
  }
  func.func @transform_4(%arg0: i32) -> (i32, i32) {
    %c0_i32 = arith.constant 0 : i32
    %c0_i32_0 = arith.constant 0 : i32
    %c0_i32_1 = arith.constant 0 : i32
    return %c0_i32, %c0_i32_0 : i32, i32
  }
  func.func @transform_5(%arg0: i32) -> (i32, i32) {
    %c0_i32 = arith.constant 0 : i32
    %c0_i32_0 = arith.constant 0 : i32
    return %arg0, %c0_i32 : i32, i32
  }
}

</mosaic_0001>

<sc_bundles>
// kernel: kernel.4.cloned.1.call-start
scs
__scs_entry_jumppad:
0x0: {  	(pc) =	sbr.rel $0x88, $3  }
0x1: {  	(tag) =	ssettag $0x0;
	lr =	simm.s32 $0x1  }
0x2: {  	[smem:$0x3F9A] =	sst lr;
	_ =	strace $0xD0000000  }
0x3: {  	_ = 	snop  }
0x4: {  	_ = 	snop  }
0x5: {  	_ = 	snop  }
0x6: {  	_ = 	snop  }
0x7: {  	_ = 	snop  }
__scs_overlays_trampoline_lowered:
0x8: {  	[smem:$0x3FA9] =	sst s0  }
0x9: {  	[smem:$0x3FAA] =	sst s1  }
0xa: {  	[smem:$0x3FAB] =	sst s2  }
0xb: {  	[smem:$0x3FAC] =	sst s3  }
0xc: {  	[smem:$0x3FAD] =	sst s4  }
0xd: {  	[smem:$0x3FAE] =	sst s5  }
0xe: {  	[smem:$0x3FAF] =	sst s6  }
0xf: {  	[smem:$0x3FB0] =	sst s7  }
0x10: {  	[smem:$0x3FB1] =	sst s8  }
0x11: {  	[smem:$0x3FB2] =	sst s9;
	s0 =	simm.s32 @!p0 $0x0  }
0x12: {  	s1 =	sld [smem:$0x3F98];
	s0 =	simm.s32 @p0 $0x1  }
0x13: {  	[smem:$0x3FB3] =	sst s0;
	s0 =	simm.s32 @!p1 $0x0  }
0x14: {  	s2 =	sld [smem:$0x3F97];
	s0 =	simm.s32 @p1 $0x1  }
0x15: {  	[smem:$0x3FB4] =	sst s0;
	s0 =	simm.s32 @!p2 $0x0  }
0x16: {  	s3 =	sld [smem:$0x3FDB];
	s0 =	simm.s32 @p2 $0x1  }
0x17: {  	s4 =	simm.s32 $0x1BF5;
	[smem:$0x3FB6] =	sst s0  }
0x18: {  	s0 =	sld [smem:$0x3F99];
	_ =	swait.ge [sflag:s4], $0x0  }
0x19: {  	s7 =	sld [smem:$0x3F9A]  }
0x1a: {  	s8 =	sadd.s32 $0xFFFFE003, lr  }
0x1b: {  	s9 =	sadd.s32 $0xFFFFFEF7, lr;
	s5 =	simm.s32 $0xFFFFFFFF;
	p2 =	slt.u32 s8, $0xFFFFF086  }
0x1c: {  	p1 =	slt.u32 s9, $0xF7A;
	s5 =	simm.s32 @!p2 $0x0  }
0x1d: {  	s5 =	simm.s32 @p1 $0x1;
	p0 =	seq.s32 s7, s2  }
0x1e: {  	s7 =	smul.u32 @!p0 $0xF7A, s2;
	p2 =	seq.s32 @!p0 s5, $0x0  }
0x1f: {  	s9 =	smul.u32 $0xF7A, s1;
	s8 =	simm.s32 @!p0 $0x1BF5;
	p2 =	por !p2, p0  }
0x20: {  	[sflag:s8] =	ssyncset.s32 @!p0 $0xFFFFF086;
	s6 =	sadd.s32 @!p0 s3, s7;
	s7 =	simm.s32 @!p0 $0x108  }
0x21: {  	s3 =	sadd.s32 s3, s9;
	s6 =	sadd.s32 @!p0 $0x88, s6;
	s7 =	simm.s32 @p2 $0x1082  }
0x22: {  	[simem:s7], [sflag:s8] =	dma.local @!p0 [hbm:s6], $0xF7A  }
0x23: {  	s9 =	sor.u32 $0xD0000000, s2;
	s6 =	simm.s32 $0x108;
	_ =	swait.ge @!p0 [sflag:s8], $0x0  }
0x24: {  	s3 =	sadd.s32 $0x88, s3;
	s6 =	simm.s32 @!p1 $0x1082;
	[sflag:s4] =	ssyncset.s32 $0xFFFFF086  }
0x25: {  	[simem:s6], [sflag:s4] =	dma.local [hbm:s3], $0xF7A  }
0x26: {  	[smem:$0x3F9A] =	sst s1;
	(tag) =	ssettag s2;
	_ =	strace s9  }
0x27: {  	s1 =	sld [smem:$0x3FAA]  }
0x28: {  	s2 =	sld [smem:$0x3FAB]  }
0x29: {  	s4 =	sld [smem:$0x3FAD]  }
0x2a: {  	p0 =	seq.s32 s5, $0x0;
	s5 =	sld [smem:$0x3FAE]  }
0x2b: {  	s6 =	sld [smem:$0x3FAF]  }
0x2c: {  	s7 =	sld [smem:$0x3FB0]  }
0x2d: {  	s3 =	simm.s32 $0x108;
	s8 =	sld [smem:$0x3FB1]  }
0x2e: {  	s3 =	simm.s32 @!p0 $0x1082;
	s9 =	sld [smem:$0x3FB2]  }
0x2f: {  	lr =	sadd.s32 s0, s3;
	s0 =	sld [smem:$0x3FA9]  }
0x30: {  	s3 =	sld [smem:$0x3FAC]  }
0x31: {  	[smem:$0x3FB5] =	sst s10  }
0x32: {  	s10 =	sld [smem:$0x3FB3];
	_ =	sdelay $0x3  }
0x33: {  	p0 =	seq.s32 s10, $0x1;
	s10 =	sld [smem:$0x3FB5];
	_ =	sdelay $0x3  }
0x34: {  	[smem:$0x3FB5] =	sst s10  }
0x35: {  	s10 =	sld [smem:$0x3FB4];
	_ =	sdelay $0x3  }
0x36: {  	p1 =	seq.s32 s10, $0x1;
	s10 =	sld [smem:$0x3FB5];
	_ =	sdelay $0x3  }
0x37: {  	[smem:$0x3FB5] =	sst s10  }
0x38: {  	s10 =	sld [smem:$0x3FB6]  }
0x39: {  	_ = 	snop;
	(pc) =	sbr.ind lr, $3  }
0x3a: {  	_ = 	snop  }
0x3b: {  	_ = 	snop  }
0x3c: {  	p2 =	seq.s32 s10, $0x1;
	s10 =	sld [smem:$0x3FB5]  }
0x3d: {  	_ =	shalt  }
0x3e: {  	_ =	shalt  }
0x3f: {  	_ =	shalt  }
0x40: {  	_ =	shalt  }
0x41: {  	_ =	shalt  }
0x42: {  	_ =	shalt  }
0x43: {  	_ =	shalt  }
0x44: {  	_ =	shalt  }
0x45: {  	_ =	shalt  }
0x46: {  	_ =	shalt  }
0x47: {  	_ =	shalt  }
0x48: {  	_ =	shalt  }
0x49: {  	_ =	shalt  }
0x4a: {  	_ =	shalt  }
0x4b: {  	_ =	shalt  }
0x4c: {  	_ =	shalt  }
0x4d: {  	_ =	shalt  }
0x4e: {  	_ =	shalt  }
0x4f: {  	_ =	shalt  }
0x50: {  	_ =	shalt  }
0x51: {  	_ =	shalt  }
0x52: {  	_ =	shalt  }
0x53: {  	_ =	shalt  }
0x54: {  	_ =	shalt  }
0x55: {  	_ =	shalt  }
0x56: {  	_ =	shalt  }
0x57: {  	_ =	shalt  }
0x58: {  	_ =	shalt  }
0x59: {  	_ =	shalt  }
0x5a: {  	_ =	shalt  }
0x5b: {  	_ =	shalt  }
0x5c: {  	_ =	shalt  }
0x5d: {  	_ =	shalt  }
0x5e: {  	_ =	shalt  }
0x5f: {  	_ =	shalt  }
0x60: {  	_ =	shalt  }
0x61: {  	_ =	shalt  }
0x62: {  	_ =	shalt  }
0x63: {  	_ =	shalt  }
0x64: {  	_ =	shalt  }
0x65: {  	_ =	shalt  }
0x66: {  	_ =	shalt  }
0x67: {  	_ =	shalt  }
0x68: {  	_ =	shalt  }
0x69: {  	_ =	shalt  }
0x6a: {  	_ =	shalt  }
0x6b: {  	_ =	shalt  }
0x6c: {  	_ =	shalt  }
0x6d: {  	_ =	shalt  }
0x6e: {  	_ =	shalt  }
0x6f: {  	_ =	shalt  }
0x70: {  	_ =	shalt  }
0x71: {  	_ =	shalt  }
0x72: {  	_ =	shalt  }
0x73: {  	_ =	shalt  }
0x74: {  	_ =	shalt  }
0x75: {  	_ =	shalt  }
0x76: {  	_ =	shalt  }
0x77: {  	_ =	shalt  }
0x78: {  	_ =	shalt  }
0x79: {  	_ =	shalt  }
0x7a: {  	_ =	shalt  }
0x7b: {  	_ =	shalt  }
0x7c: {  	_ =	shalt  }
0x7d: {  	_ =	shalt  }
0x7e: {  	_ =	shalt  }
0x7f: {  	_ =	shalt  }
0x80: {  	_ =	shalt  }
0x81: {  	_ =	shalt  }
0x82: {  	_ =	shalt  }
0x83: {  	_ =	shalt  }
0x84: {  	_ =	shalt  }
0x85: {  	_ =	shalt  }
0x86: {  	_ =	shalt  }
0x87: {  	_ =	shalt  }
.Lfunc_end0:
.L_simem_size_0:
called_computation_lowered:
.L_overlay_start_0:
0x88: {  	s2 =	sld [smem:$0x3FD9]  }
0x89: {  	s3 =	sld [smem:$0x3FFE];
	_ =	sdelay $0x1  }
0x8a: {  	s1 =	srdreg.scid  }
0x8b: {  	s0 =	sand.u32 $0x1, s1  }
0x8c: {  	s17 =	sshll.u32 s0, $0xA;
	s2 =	sadd.s32 s3, s2  }
0x8d: {  	s2 =	sadd.s32 s2, s17  }
0x8e: {  	[smem:$0x3FC1] =	sst s2  }
0x8f: {  	_ = 	snop  }
0x90: {  	s2 =	sld [smem:$0x3FC9]  }
0x91: {  	s18 =	sld [smem:$0x3FC8]  }
0x92: {  	s4 =	sld [smem:$0x3FC7]  }
0x93: {  	s5 =	sld [smem:$0x3FC3]  }
0x94: {  	s6 =	sld [smem:$0x3FD0];
	(tm) =	ssettm $0x1  }
0x95: {  	s7 =	sld [smem:$0x3FFB];
	_ =	sdelay $0x3  }
0x96: {  	_ =	strace s7  }
0x97: {  	s7 =	sld [smem:$0x3FFC];
	_ =	sdelay $0x3  }
0x98: {  	_ =	strace s7  }
0x99: {  	s7 =	sld [smem:$0x3FFD];
	_ =	sdelay $0x3  }
0x9a: {  	_ =	strace s7  }
0x9b: {  	_ =	strace $0x8FFFFFFF  }
0x9c: {  	s19 =	sld [smem:$0x3FDB];
	_ =	sdelay $0x1  }
0x9d: {  	s8 =	simm.s32 $_scs_section_size  }
0x9e: {  	s9 =	simm.s32 $_size__tile_overlayer_lowered;
	s10 =	simm.s32 $_tile_overlayer_lowered  }
0x9f: {  	s22 =	simm.s32 $0x1BFF;
	s21 =	sshll.u32 s10, $0x1;
	s7 =	sadd.s32 s8, s19  }
0xa0: {  	s11 =	simm.s32 $0x0;
	s20 =	sshll.u32 s9, $0x1;
	s9 =	sadd.s32 s21, s7  }
0xa1: {  	[timem:s11], [sflag:s22] =	dma.local [hbm:s9], s20  }
0xa2: {  	_ =	swait.ge [sflag:s22], s20  }
0xa3: {  	s8 =	ssub.s32 $0x0, s20;
	[sflag:s22] =	ssyncset.done $0x0  }
0xa4: {  	[sflag:s22] =	ssyncadd.s32 s8;
	_ =	sdelay $0x1  }
0xa5: {  	s23 =	simm.s32 $0x1B8B  }
0xa6: {  	_ =	swait.ge [sflag:s23], $0x1  }
0xa7: {  	[sflag:s23] =	ssyncset.done $0x0  }
0xa8: {  	s25 =	simm.s32 $0x1B8E;
	s24 =	sld [smem:$0x3FFE];
	[sflag:s23] =	ssyncadd.s32 $0xFFFFFFFF  }
0xa9: {  	s26 =	simm.s32 $execute0_lowered;
	[smem:$0x3FD2] =	sst s25  }
0xaa: {  	s9 =	sshll.u32 s26, $0x1;
	_ =	strace $0x80000046;
	[dreg:$0x1] =	wrdreg $0xFFFFFFFF  }
0xab: {  	s28 =	simm.s32 $_size_execute0_lowered;
	s7 =	sadd.s32 s7, s9;
	[dreg:$0x0] =	wrdreg $0x0  }
0xac: {  	s9 =	sshll.u32 s28, $0x1;
	[dreg:$0x2] =	wrdreg s7  }
0xad: {  	[dreg:$0x3] =	wrdreg s9  }
0xae: {  	[dreg:$0x4] =	wrdreg $0xC0  }
0xaf: {  	_ =	task [dreg:s11], $0x5FFFF  }
0xb0: {  	[dreg:$0x1] =	wrdreg $0xFFFFFFFF  }
0xb1: {  	[dreg:$0x0] =	wrdreg $0x60  }
0xb2: {  	[dreg:$0x2] =	wrdreg s2  }
0xb3: {  	[dreg:$0x3] =	wrdreg s4  }
0xb4: {  	[dreg:$0x4] =	wrdreg s18  }
0xb5: {  	[dreg:$0x5] =	wrdreg s24  }
0xb6: {  	[dreg:$0x6] =	wrdreg s5  }
0xb7: {  	[dreg:$0x7] =	wrdreg s6  }
0xb8: {  	[dreg:$0x8] =	wrdreg $0xC1800  }
0xb9: {  	[dreg:$0x9] =	wrdreg $0x9  }
0xba: {  	_ =	task.clear_ibuf [dreg:s11], $0xAFFFF;
	_ =	strace $0x90000046  }
0xbb: {  	s29 =	simm.s32 $0x9;
	_ =	strace $0x80000048  }
0xbc: {  	_ =	swait.ge [sflag:s29], $0x1  }
0xbd: {  	[sflag:s29] =	ssyncadd.s32 $0xFFFFFFFF  }
0xbe: {  	_ =	strace $0x90000048  }
0xbf: {  	_ =	sfence  }
0xc0: {  	s30 =	sld [smem:$0x0];
	_ =	sdelay $0x2  }
0xc1: {  	s31 =	sshll.u32 s1, $0xD;
	s1 =	sshrl.u32 s1, $0x2  }
0xc2: {  	s3 =	sand.u32 $0x4000, s31;
	s1 =	sadd.s32 s1, s30  }
0xc3: {  	s0 =	sor.u32 s3, s0;
	s1 =	sshll.u32 s1, $0x11  }
0xc4: {  	s0 =	sor.u32 s1, s0  }
0xc5: {  	s0 =	sadd.s32 $0x8F2B, s0  }
0xc6: {  	[sflag:s0] =	ssyncadd.remote.s32 $0x1  }
0xc7: {  	_ =	sfence.sel $0xFFFF  }
0xc8: {  	[dreg:$0x0] =	wrdreg $0xFFFFFFFF;
	(pc) =	sbr.abs _section_cstart, $3  }
0xc9: {  	[dreg:$0x1] =	wrdreg $0xFFFFFFFF  }
0xca: {  	_ =	task.clear_ibuf [dreg:s11], $0x2FFFF;
	_ =	strace $0x9FFFFFFF  }
0xcb: {  	(tm) =	ssettm $0x7FFFFFFF  }
tec
execute0_lowered:
.L_overlay_start_1:
0x0: {  	(tag) =	ssettag $0x1  }
0x1: {  	s0 =	rddreg [dreg:$0x0]  }
0x2: {  	s1 =	rddreg [dreg:$0x1]  }
0x3: {  	s2 =	rddreg [dreg:$0x2]  }
0x4: {  	s5 =	rddreg [dreg:$0x3]  }
0x5: {  	s6 =	rddreg [dreg:$0x5]  }
0x6: {  	s3 =	rddreg [dreg:$0x6]  }
0x7: {  	s4 =	simm.s32 $0x0;
	s8 =	srdreg.scid;
	s19 =	stileid.u32  }
0x8: {  	s28 =	simm.s32 $0xC000;
	s29 =	simm.s32 $0x80;
	s30 =	simm.s32 $0xC100  }
0x9: {  	s31 =	simm.s32 $0x1;
	[smem:$0x7FF] =	sst s4;
	s7 =	sadd.s32 $0x14600, s5  }
0xa: {  	s9 =	sand.u32 $0x1, s8;
	s10 =	sshll.u32 s19, $0x4;
	s11 =	sshll.u32 s19, $0x10  }
0xb: {  	s13 =	sshll.u32 s19, $0x13;
	p1 =	sgt.u32 s19, $0x7;
	_ =	strace $0x80000047  }
0xc: {  	[dreg:$0x8] =	wrdreg s7;
	s7 =	sadd.s32 $0xC00, s5;
	s8 =	ssub.s32 $0x2, s9  }
0xd: {  	s5 =	sadd.s32 s10, s5;
	s14 =	sadd.s32 s11, s3;
	s1 =	sadd.s32 s1, s10  }
0xe: {  	s18 =	sadd.s32 s2, s10;
	s20 =	sshll.u32 s9, $0x14;
	s22 =	sadd.s32 s0, s11  }
0xf: {  	p0 =	sne.s32 s9, $0x0;
	s2 =	simm.s32 $0x4000;
	s10 =	simm.s32 $0x6000  }
0x10: {  	s9 =	simm.s32 $0x0;
	s12 =	sshrl.u32 s8, $0x1;
	[dreg:$0x9] =	wrdreg s1  }
0x11: {  	s17 =	sadd.s32 $0x17200, s5;
	[dreg:$0xb] =	wrdreg s18;
	s21 =	sadd.s32 $0x17000, s5  }
0x12: {  	s15 =	sadd.s32 $0xFFFFF800, s20;
	s1 =	sor.u32 s11, s20;
	[dreg:$0xd] =	wrdreg s22  }
0x13: {  	s24 =	sadd.s32 $0x2800, s14;
	s25 =	sadd.s32 $0x4800, s14;
	[dreg:$0xa] =	wrdreg s17  }
0x14: {  	s26 =	sadd.s32 $0x6800, s14;
	s20 =	sadd.s32 $0x8800, s14;
	[dreg:$0xc] =	wrdreg s21  }
0x15: {  	s22 =	sadd.s32 $0xC800, s14;
	s11 =	simm.s32 $0xA000;
	[dreg:$0x10] =	wrdreg s24  }
0x16: {  	s12 =	ssub.s32 s8, s12;
	s8 =	sadd.s32 $0x800, s14;
	[dreg:$0x11] =	wrdreg s25  }
0x17: {  	s1 =	sshrl.u32 s1, $0x3;
	[dreg:$0x12] =	wrdreg s26;
	s21 =	sadd.s32 $0xA800, s14  }
0x18: {  	s24 =	sadd.s32 $0x15000, s5;
	s25 =	sor.u32 $0x4000, s13;
	s26 =	simm.s32 $0x4  }
0x19: {  	s5 =	simm.s32 $0x8000;
	s1 =	sadd.s32 s6, s1;
	s23 =	smax.u32 s12, $0x1  }
0x1a: {  	s6 =	simm.s32 $0x2;
	s12 =	simm.s32 $0x3;
	[dreg:$0xe] =	wrdreg s1  }
0x1b: {  	v1 =	vimm.f32 $0.0e+00;
	v2 =	vimm.f32 $1.000000000e+00;
	v0 =	vmov s15;
	[dreg:$0xf] =	wrdreg s23;
	s23 =	sadd.s32 $0xE800, s14;
	s1 =	simm.s32 $0x2000  }
.LBB2_1:
0x1c: {  	s14 =	simm.s32 $0x0  }
.LBB2_2:
0x1d: {  	p2 =	sne.s32 s14, $0x7FC0  }
.Ltmp0:
0x1e: {  	_ = 	snop;
	(pc) =	sbr.rel @p2 .LBB2_2-.Ltmp0, $3  }
0x1f: {  	_ =	sdelay $0x1  }
0x20: {  	s15 =	sshra.s32 s14, $0x2  }
0x21: {  	s14 =	sadd.s32 $0x40, s14;
	[tilespmem:s15+$0x0] =	vst v1  }
0x22: {  	s14 =	simm.s32 $0x40;
	s15 =	simm.s32 $0x0  }
.LBB2_4:
0x23: {  	p2 =	sne.s32 s14, $0x7FC0;
	[tilespmem:s15+$0xA000] =	vst v2;
	s15 =	smov.u32 s14;
	s14 =	sadd.s32 $0x40, s14  }
.Ltmp1:
0x24: {  	(pc) =	sbr.rel @p2 .LBB2_4-.Ltmp1, $2  }
0x25: {  	_ =	sdelay $0x2  }
0x26: {  	s15 =	sshra.s32 s15, $0x2  }
0x27: {  	[tilespmem:s15+$0xA000] =	vst v2  }
0x28: {  	[spmem:s8] =	stream.linear.scatter [tilespmem:s4], [sflag:$0x4], $0x2000, $0x38;
	[tilespmem:$0x1C280] =	vst v63  }
0x29: {  	_ =	swait.ge [sflag:s26], $0x2000  }
0x2a: {  	[sflag:s26] =	ssyncset.done $0x0  }
0x2b: {  	s14 =	rddreg [dreg:$0x10];
	[sflag:s26] =	ssyncadd.s32 $0xFFFFE000  }
0x2c: {  	[spmem:s14] =	stream.linear.scatter [tilespmem:s4], [sflag:$0x4], $0x2000, $0x38;
	[tilespmem:$0x1C280] =	vst v63  }
0x2d: {  	_ =	swait.ge [sflag:s26], $0x2000  }
0x2e: {  	[sflag:s26] =	ssyncset.done $0x0  }
0x2f: {  	s17 =	rddreg [dreg:$0x11];
	[sflag:s26] =	ssyncadd.s32 $0xFFFFE000  }
0x30: {  	[spmem:s17] =	stream.linear.scatter [tilespmem:s4], [sflag:$0x4], $0x2000, $0x38;
	[tilespmem:$0x1C280] =	vst v63  }
0x31: {  	_ =	swait.ge [sflag:s26], $0x2000  }
0x32: {  	[sflag:s26] =	ssyncset.done $0x0  }
0x33: {  	s18 =	rddreg [dreg:$0x12];
	[sflag:s26] =	ssyncadd.s32 $0xFFFFE000  }
0x34: {  	[spmem:s18] =	stream.linear.scatter [tilespmem:s4], [sflag:$0x4], $0x2000, $0x38;
	[tilespmem:$0x1C280] =	vst v63  }
0x35: {  	_ =	swait.ge [sflag:s26], $0x2000  }
0x36: {  	[sflag:s26] =	ssyncset.done $0x0  }
0x37: {  	[sflag:s26] =	ssyncadd.s32 $0xFFFFE000  }
0x38: {  	[spmem:s20] =	stream.linear.scatter [tilespmem:s4], [sflag:$0x4], $0x2000, $0x38;
	[tilespmem:$0x1C280] =	vst v63  }
0x39: {  	_ =	swait.ge [sflag:s26], $0x2000  }
0x3a: {  	[sflag:s26] =	ssyncset.done $0x0  }
0x3b: {  	[sflag:s26] =	ssyncadd.s32 $0xFFFFE000  }
0x3c: {  	[spmem:s21] =	stream.linear.scatter [tilespmem:s4], [sflag:$0x4], $0x2000, $0x38;
	[tilespmem:$0x1C280] =	vst v63  }
0x3d: {  	_ =	swait.ge [sflag:s26], $0x2000  }
0x3e: {  	[sflag:s26] =	ssyncset.done $0x0  }
0x3f: {  	[sflag:s26] =	ssyncadd.s32 $0xFFFFE000  }
0x40: {  	[spmem:s22] =	stream.linear.scatter [tilespmem:s4], [sflag:$0x4], $0x2000, $0x38;
	[tilespmem:$0x1C280] =	vst v63  }
0x41: {  	_ =	swait.ge [sflag:s26], $0x2000  }
0x42: {  	[sflag:s26] =	ssyncset.done $0x0  }
.Ltmp2:
0x43: {  	[sflag:s26] =	ssyncadd.s32 $0xFFFFE000;
	(pc) =	sbr.rel @p0 .LBB2_7-.Ltmp2, $4  }
0x44: {  	[spmem:s23] =	stream.linear.scatter [tilespmem:s4], [sflag:$0x4], $0x2000, $0x38;
	[tilespmem:$0x1C280] =	vst v63  }
0x45: {  	_ =	swait.ge [sflag:s26], $0x2000  }
0x46: {  	[sflag:s26] =	ssyncset.done $0x0  }
0x47: {  	[sflag:s26] =	ssyncadd.s32 $0xFFFFE000  }
0x48: {  	s14 =	rddreg [dreg:$0x9]  }
0x49: {  	[tilespmem:s28], [sflag:$0x4] =	stream.linear.gather [hbm4b:s14+s4], $0x80, $0x38;
	[tilespmem:$0x1C280] =	vst v63  }
0x4a: {  	_ =	swait.ge [sflag:s26], $0x80  }
0x4b: {  	[sflag:s26] =	ssyncset.done $0x0  }
0x4c: {  	s18 =	rddreg [dreg:$0x8];
	[sflag:s26] =	ssyncadd.s32 $0xFFFFFF80  }
0x4d: {  	[tilespmem:s30], [sflag:$0x1] =	stream.indirect.gather [hbm4b:s18+s29], $0x1, s28, s29, $0xb8;
	[tilespmem:$0x1C280] =	vst v63  }
0x4e: {  	_ =	swait.ge [sflag:s31], $0x80  }
0x4f: {  	[sflag:s31] =	ssyncset.done $0x0  }
0x50: {  	s19 =	rddreg [dreg:$0xa];
	[sflag:s31] =	ssyncadd.s32 $0xFFFFFF80  }
0x51: {  	[hbm4b:s19+s4] =	stream.linear.scatter [tilespmem:s30], [sflag:$0x4], $0x80, $0x38;
	[tilespmem:$0x1C280] =	vst v63  }
0x52: {  	_ =	swait.ge [sflag:s26], $0x80  }
0x53: {  	s15 =	simm.s32 @!p1 $0xC000;
	[sflag:s26] =	ssyncset.done $0x0  }
0x54: {  	s14 =	simm.s32 @!p1 $0x0;
	s16 =	rddreg [dreg:$0xb];
	[sflag:s26] =	ssyncadd.s32 $0xFFFFFF80  }
0x55: {  	[tilespmem:s15], [sflag:$0x4] =	stream.linear.gather @!p1 [hbm4b:s16+s14], $0x80, $0x38;
	[tilespmem:$0x1C280] =	vst v63  }
0x56: {  	s16 =	simm.s32 @!p1 $0x4  }
0x57: {  	_ =	swait.ge @!p1 [sflag:s16], $0x80  }
0x58: {  	[sflag:s16] =	ssyncset.done @!p1 $0x0  }
0x59: {  	[sflag:s16] =	ssyncadd.s32 @!p1 $0xFFFFFF80  }
0x5a: {  	s17 =	simm.s32 @!p1 $0x80;
	s18 =	simm.s32 @!p1 $0xC100;
	s19 =	rddreg [dreg:$0x4]  }
0x5b: {  	[tilespmem:s18], [sflag:$0x1] =	stream.indirect.gather @!p1 [hbm4b:s19+s17], $0x1, s15, s17, $0xb8;
	[tilespmem:$0x1C280] =	vst v63  }
0x5c: {  	s15 =	simm.s32 @!p1 $0x1  }
0x5d: {  	_ =	swait.ge @!p1 [sflag:s15], $0x80  }
0x5e: {  	[sflag:s15] =	ssyncset.done @!p1 $0x0  }
.Ltmp3:
0x5f: {  	[sflag:s15] =	ssyncadd.s32 @!p1 $0xFFFFFF80;
	s15 =	rddreg [dreg:$0xc];
	(pc) =	sbr.rel .LBB2_10-.Ltmp3, $4  }
0x60: {  	[hbm4b:s15+s14] =	stream.linear.scatter @!p1 [tilespmem:s18], [sflag:$0x4], $0x80, $0x38;
	[tilespmem:$0x1C280] =	vst v63  }
0x61: {  	_ =	swait.ge @!p1 [sflag:s16], $0x80  }
0x62: {  	[sflag:s16] =	ssyncset.done @!p1 $0x0  }
0x63: {  	s19 =	stileid.u32;
	[sflag:s16] =	ssyncadd.s32 @!p1 $0xFFFFFF80  }
.LBB2_7:
0x64: {  	s14 =	simm.s32 $0x0;
	s15 =	rddreg [dreg:$0x9];
	s16 =	simm.s32 $0xC080  }
0x65: {  	[tilespmem:s16], [sflag:$0x4] =	stream.linear.gather [hbm4b:s15+s14], $0x80, $0x38;
	[tilespmem:$0x1C280] =	vst v63  }
0x66: {  	_ =	swait.ge [sflag:s26], $0x80  }
0x67: {  	[sflag:s26] =	ssyncset.done $0x0  }
0x68: {  	[sflag:s26] =	ssyncadd.s32 $0xFFFFFF80  }
0x69: {  	v3 =	vld [tilespmem:$0xC0A0]  }
0x6a: {  	v8 =	vld [tilespmem:$0xC080]  }
0x6b: {  	v4 =	vld [tilespmem:$0xC0B0]  }
0x6c: {  	v5 =	vld [tilespmem:$0xC0C0]  }
0x6d: {  	v6 =	vld [tilespmem:$0xC0D0]  }
0x6e: {  	v7 =	vld [tilespmem:$0xC0E0];
	v3 =	vshll.u32 v3, $0x5  }
0x6f: {  	v10 =	vld [tilespmem:$0xC090];
	v61 =	vshll.u32 v8, $0x5;
	v3 =	vadd.s32 s14, v3  }
0x70: {  	v9 =	vld [tilespmem:$0xC0F0];
	v4 =	vshll.u32 v4, $0x5;
	v62 =	vadd.s32 s14, v61;
	[tilespmem:$0xC020] =	vst v3  }
0x71: {  	v58 =	vshll.u32 v5, $0x5;
	v3 =	vadd.s32 s14, v4;
	[tilespmem:$0xC000] =	vst v62  }
0x72: {  	v59 =	vshll.u32 v6, $0x5;
	[tilespmem:$0xC030] =	vst v3;
	v3 =	vadd.s32 s14, v58  }
0x73: {  	v60 =	vshll.u32 v7, $0x5;
	[tilespmem:$0xC040] =	vst v3;
	v3 =	vadd.s32 s14, v59  }
0x74: {  	v63 =	vshll.u32 v10, $0x5;
	[tilespmem:$0xC050] =	vst v3;
	v3 =	vadd.s32 s14, v60  }
0x75: {  	v4 =	vadd.s32 s14, v63;
	[tilespmem:$0xC060] =	vst v3;
	v3 =	vshll.u32 v9, $0x5  }
0x76: {  	[tilespmem:$0xC010] =	vst v4;
	v3 =	vadd.s32 s14, v3  }
0x77: {  	[tilespmem:$0xC070] =	vst v3  }
0x78: {  	[tilespmem:s30], [sflag:$0x1] =	stream.indirect.gather [hbm4b:s7+s29], $0x1, s28, s29, $0xb8;
	[tilespmem:$0x1C280] =	vst v63  }
0x79: {  	_ =	swait.ge [sflag:s31], $0x80  }
0x7a: {  	[sflag:s31] =	ssyncset.done $0x0  }
0x7b: {  	[sflag:s31] =	ssyncadd.s32 $0xFFFFFF80  }
0x7c: {  	[hbm4b:s24+s4] =	stream.linear.scatter [tilespmem:s30], [sflag:$0x4], $0x80, $0x38;
	[tilespmem:$0x1C280] =	vst v63  }
0x7d: {  	_ =	swait.ge [sflag:s26], $0x80  }
0x7e: {  	s15 =	smov.u32 s24;
	s14 =	simm.s32 $0x1;
	[sflag:s26] =	ssyncset.done $0x0  }
.LBB2_8:
0x7f: {  	p2 =	sne.s32 s14, $0x1F;
	[sflag:s26] =	ssyncadd.s32 $0xFFFFFF80;
	s15 =	sadd.s32 $0x100, s15  }
0x80: {  	s16 =	smov.u32 s14;
	s14 =	sadd.s32 $0x1, s14;
	v3 =	vld [tilespmem:$0xC0A0]  }
0x81: {  	v4 =	vld [tilespmem:$0xC0B0]  }
0x82: {  	v5 =	vld [tilespmem:$0xC0C0]  }
0x83: {  	v6 =	vld [tilespmem:$0xC0D0]  }
0x84: {  	v7 =	vld [tilespmem:$0xC0E0]  }
0x85: {  	v8 =	vld [tilespmem:$0xC080];
	v3 =	vshll.u32 v3, $0x5  }
0x86: {  	v3 =	vadd.s32 s16, v3;
	v4 =	vshll.u32 v4, $0x5;
	v9 =	vld [tilespmem:$0xC0F0]  }
0x87: {  	v10 =	vld [tilespmem:$0xC090];
	[tilespmem:$0xC020] =	vst v3;
	v3 =	vadd.s32 s16, v4;
	v4 =	vshll.u32 v5, $0x5  }
0x88: {  	[tilespmem:$0xC030] =	vst v3;
	v3 =	vadd.s32 s16, v4;
	v4 =	vshll.u32 v6, $0x5  }
0x89: {  	[tilespmem:$0xC040] =	vst v3;
	v3 =	vadd.s32 s16, v4;
	v4 =	vshll.u32 v7, $0x5  }
0x8a: {  	v5 =	vshll.u32 v8, $0x5;
	[tilespmem:$0xC050] =	vst v3;
	v3 =	vadd.s32 s16, v4  }
0x8b: {  	v4 =	vadd.s32 s16, v5;
	[tilespmem:$0xC060] =	vst v3;
	v3 =	vshll.u32 v9, $0x5  }
0x8c: {  	[tilespmem:$0xC000] =	vst v4;
	v4 =	vshll.u32 v10, $0x5;
	v3 =	vadd.s32 s16, v3  }
0x8d: {  	v4 =	vadd.s32 s16, v4;
	[tilespmem:$0xC070] =	vst v3  }
0x8e: {  	[tilespmem:$0xC010] =	vst v4  }
0x8f: {  	[tilespmem:s30], [sflag:$0x1] =	stream.indirect.gather [hbm4b:s7+s29], $0x1, s28, s29, $0xb8;
	[tilespmem:$0x1C280] =	vst v63  }
0x90: {  	_ =	swait.ge [sflag:s31], $0x80  }
.Ltmp4:
0x91: {  	[sflag:s31] =	ssyncset.done $0x0;
	(pc) =	sbr.rel @p2 .LBB2_8-.Ltmp4, $4  }
0x92: {  	[sflag:s31] =	ssyncadd.s32 $0xFFFFFF80  }
0x93: {  	[hbm4b:s15+s4] =	stream.linear.scatter [tilespmem:s30], [sflag:$0x4], $0x80, $0x38;
	[tilespmem:$0x1C280] =	vst v63  }
0x94: {  	_ =	swait.ge [sflag:s26], $0x80  }
0x95: {  	[sflag:s26] =	ssyncset.done $0x0  }
0x96: {  	[sflag:s26] =	ssyncadd.s32 $0xFFFFFF80  }
.LBB2_10:
0x97: {  	[bflag:$0x0] =	sbarrier.arrive $0xFFFF  }
0x98: {  	s14 =	simm.s32 $0x0;
	s15 =	rddreg [dreg:$0xd]  }
0x99: {  	[tilespmem:s1], [sflag:$0x2] =	stream.linear.gather [hbm4b:s15+s14], $0x2000, $0x38;
	[tilespmem:$0x1C280] =	vst v63  }
.LBB2_11:
0x9a: {  	s15 =	sshll.u32 s14, $0xE  }
0x9b: {  	s16 =	sor.u32 s15, s13  }
0x9c: {  	s16 =	sshrl.u32 s16, $0x3  }
0x9d: {  	s16 =	sadd.s32 s16, s0  }
0x9e: {  	s16 =	sadd.s32 $0x400, s16  }
0x9f: {  	[tilespmem:s2], [sflag:$0x2] =	stream.linear.gather [hbm4b:s16+s4], $0x2000, $0x38;
	[tilespmem:$0x1C280] =	vst v63  }
0xa0: {  	_ =	swait.ge [sflag:s6], $0x2000  }
0xa1: {  	p2 =	seq.s32 s14, $0x0;
	[sflag:s6] =	ssyncset.done $0x0  }
0xa2: {  	s16 =	simm.s32 @!p2 $0x3;
	[sflag:s6] =	ssyncadd.s32 $0xFFFFE000  }
0xa3: {  	_ =	swait.ge @!p2 [sflag:s16], $0x2000  }
0xa4: {  	[sflag:s16] =	ssyncset.done @!p2 $0x0  }
0xa5: {  	[sflag:s16] =	ssyncadd.s32 @!p2 $0xFFFFE000;
	s16 =	simm.s32 $0x2040  }
0xa6: {  	v3 =	vld [tilespmem:s16+$0xFFFFFFC0];
	_ =	sdelay $0x4  }
0xa7: {  	v4 =	vsub.s32 v3, v0  }
0xa8: {  	v3 =	vand.u32 $0x7FF, v3;
	vm0 =	vlt.s32 v4, $0x800  }
0xa9: {  	v4 =	vsel vm0, v3, v4  }
0xaa: {  	v3 =	vor.u32 $0x100800, v3;
	vm0 =	vgt.s32 v4, $0x1007FF  }
0xab: {  	s17 =	simm.s32 $0x6040;
	v3 =	vsel vm0, v3, v4  }
0xac: {  	[tilespmem:s17+$0xFFFFFFC0] =	vst v3  }
0xad: {  	v3 =	vld [tilespmem:s16+$0xFFFFFFD0];
	_ =	sdelay $0x4  }
0xae: {  	v4 =	vsub.s32 v3, v0  }
0xaf: {  	v3 =	vand.u32 $0x7FF, v3;
	vm9 =	vlt.s32 v4, $0x800  }
0xb0: {  	v4 =	vsel vm9, v3, v4  }
0xb1: {  	v3 =	vor.u32 $0x100800, v3;
	vm0 =	vgt.s32 v4, $0x1007FF  }
0xb2: {  	v3 =	vsel vm0, v3, v4  }
0xb3: {  	[tilespmem:s17+$0xFFFFFFD0] =	vst v3  }
0xb4: {  	v3 =	vld [tilespmem:s16+$0xFFFFFFE0];
	_ =	sdelay $0x4  }
0xb5: {  	v4 =	vsub.s32 v3, v0  }
0xb6: {  	v3 =	vand.u32 $0x7FF, v3;
	vm10 =	vlt.s32 v4, $0x800  }
0xb7: {  	v4 =	vsel vm10, v3, v4  }
0xb8: {  	v3 =	vor.u32 $0x100800, v3;
	vm0 =	vgt.s32 v4, $0x1007FF  }
0xb9: {  	v3 =	vsel vm0, v3, v4  }
0xba: {  	[tilespmem:s17+$0xFFFFFFE0] =	vst v3  }
0xbb: {  	v3 =	vld [tilespmem:s16+$0xFFFFFFF0];
	_ =	sdelay $0x4  }
0xbc: {  	v4 =	vsub.s32 v3, v0  }
0xbd: {  	v3 =	vand.u32 $0x7FF, v3;
	vm11 =	vlt.s32 v4, $0x800  }
0xbe: {  	v4 =	vsel vm11, v3, v4  }
0xbf: {  	v3 =	vor.u32 $0x100800, v3;
	vm0 =	vgt.s32 v4, $0x1007FF  }
0xc0: {  	v3 =	vsel vm0, v3, v4  }
0xc1: {  	[tilespmem:s17+$0xFFFFFFF0] =	vst v3  }
0xc2: {  	v3 =	vld [tilespmem:s16+$0x0];
	_ =	sdelay $0x4  }
0xc3: {  	v4 =	vsub.s32 v3, v0  }
0xc4: {  	v3 =	vand.u32 $0x7FF, v3;
	vm12 =	vlt.s32 v4, $0x800  }
0xc5: {  	v4 =	vsel vm12, v3, v4  }
0xc6: {  	v3 =	vor.u32 $0x100800, v3;
	vm0 =	vgt.s32 v4, $0x1007FF  }
0xc7: {  	v3 =	vsel vm0, v3, v4  }
0xc8: {  	[tilespmem:s17+$0x0] =	vst v3  }
0xc9: {  	v3 =	vld [tilespmem:s16+$0x10];
	_ =	sdelay $0x4  }
0xca: {  	v4 =	vsub.s32 v3, v0  }
0xcb: {  	v3 =	vand.u32 $0x7FF, v3;
	vm13 =	vlt.s32 v4, $0x800  }
0xcc: {  	v4 =	vsel vm13, v3, v4  }
0xcd: {  	v3 =	vor.u32 $0x100800, v3;
	vm0 =	vgt.s32 v4, $0x1007FF  }
0xce: {  	v3 =	vsel vm0, v3, v4  }
0xcf: {  	[tilespmem:s17+$0x10] =	vst v3  }
0xd0: {  	v3 =	vld [tilespmem:s16+$0x20];
	_ =	sdelay $0x4  }
0xd1: {  	v4 =	vsub.s32 v3, v0  }
0xd2: {  	v3 =	vand.u32 $0x7FF, v3;
	vm14 =	vlt.s32 v4, $0x800  }
0xd3: {  	v4 =	vsel vm14, v3, v4  }
0xd4: {  	v3 =	vor.u32 $0x100800, v3;
	vm0 =	vgt.s32 v4, $0x1007FF  }
0xd5: {  	v3 =	vsel vm0, v3, v4  }
0xd6: {  	[tilespmem:s17+$0x20] =	vst v3  }
0xd7: {  	v3 =	vld [tilespmem:s16+$0x30];
	_ =	sdelay $0x4  }
0xd8: {  	v4 =	vsub.s32 v3, v0  }
0xd9: {  	v3 =	vand.u32 $0x7FF, v3;
	vm15 =	vlt.s32 v4, $0x800  }
0xda: {  	v4 =	vsel vm15, v3, v4  }
0xdb: {  	v3 =	vor.u32 $0x100800, v3;
	vm0 =	vgt.s32 v4, $0x1007FF  }
0xdc: {  	s18 =	simm.s32 $0x0;
	v3 =	vsel vm0, v3, v4  }
.LBB2_12:
0xdd: {  	s18 =	sadd.s32 $0x8, s18;
	[tilespmem:s17+$0x30] =	vst v3;
	s16 =	sadd.s32 $0x80, s16;
	s17 =	sadd.s32 $0x80, s17  }
0xde: {  	v3 =	vld [tilespmem:s16+$0xFFFFFFC0];
	p3 =	slt.u32 s18, $0x1F8;
	_ =	sdelay $0x4  }
0xdf: {  	v4 =	vsub.s32 v3, v0  }
0xe0: {  	v3 =	vand.u32 $0x7FF, v3;
	vm0 =	vlt.s32 v4, $0x800  }
0xe1: {  	v4 =	vsel vm0, v3, v4  }
0xe2: {  	v3 =	vor.u32 $0x100800, v3;
	vm0 =	vgt.s32 v4, $0x1007FF  }
0xe3: {  	v3 =	vsel vm0, v3, v4  }
0xe4: {  	[tilespmem:s17+$0xFFFFFFC0] =	vst v3  }
0xe5: {  	v3 =	vld [tilespmem:s16+$0xFFFFFFD0];
	_ =	sdelay $0x4  }
0xe6: {  	v4 =	vsub.s32 v3, v0  }
0xe7: {  	v3 =	vand.u32 $0x7FF, v3;
	vm0 =	vlt.s32 v4, $0x800  }
0xe8: {  	v4 =	vsel vm0, v3, v4  }
0xe9: {  	v3 =	vor.u32 $0x100800, v3;
	vm0 =	vgt.s32 v4, $0x1007FF  }
0xea: {  	v3 =	vsel vm0, v3, v4  }
0xeb: {  	[tilespmem:s17+$0xFFFFFFD0] =	vst v3  }
0xec: {  	v3 =	vld [tilespmem:s16+$0xFFFFFFE0];
	_ =	sdelay $0x4  }
0xed: {  	v4 =	vsub.s32 v3, v0  }
0xee: {  	v3 =	vand.u32 $0x7FF, v3;
	vm0 =	vlt.s32 v4, $0x800  }
0xef: {  	v4 =	vsel vm0, v3, v4  }
0xf0: {  	v3 =	vor.u32 $0x100800, v3;
	vm0 =	vgt.s32 v4, $0x1007FF  }
0xf1: {  	v3 =	vsel vm0, v3, v4  }
0xf2: {  	[tilespmem:s17+$0xFFFFFFE0] =	vst v3  }
0xf3: {  	v3 =	vld [tilespmem:s16+$0xFFFFFFF0];
	_ =	sdelay $0x4  }
0xf4: {  	v4 =	vsub.s32 v3, v0  }
0xf5: {  	v3 =	vand.u32 $0x7FF, v3;
	vm0 =	vlt.s32 v4, $0x800  }
0xf6: {  	v4 =	vsel vm0, v3, v4  }
0xf7: {  	v3 =	vor.u32 $0x100800, v3;
	vm0 =	vgt.s32 v4, $0x1007FF  }
0xf8: {  	v3 =	vsel vm0, v3, v4  }
0xf9: {  	[tilespmem:s17+$0xFFFFFFF0] =	vst v3  }
0xfa: {  	v3 =	vld [tilespmem:s16+$0x0];
	_ =	sdelay $0x4  }
0xfb: {  	v4 =	vsub.s32 v3, v0  }
0xfc: {  	v3 =	vand.u32 $0x7FF, v3;
	vm0 =	vlt.s32 v4, $0x800  }
0xfd: {  	v4 =	vsel vm0, v3, v4  }
0xfe: {  	v3 =	vor.u32 $0x100800, v3;
	vm0 =	vgt.s32 v4, $0x1007FF  }
0xff: {  	v3 =	vsel vm0, v3, v4  }
0x100: {  	[tilespmem:s17+$0x0] =	vst v3  }
0x101: {  	v3 =	vld [tilespmem:s16+$0x10];
	_ =	sdelay $0x4  }
0x102: {  	v4 =	vsub.s32 v3, v0  }
0x103: {  	v3 =	vand.u32 $0x7FF, v3;
	vm0 =	vlt.s32 v4, $0x800  }
0x104: {  	v4 =	vsel vm0, v3, v4  }
0x105: {  	v3 =	vor.u32 $0x100800, v3;
	vm0 =	vgt.s32 v4, $0x1007FF  }
0x106: {  	v3 =	vsel vm0, v3, v4  }
0x107: {  	[tilespmem:s17+$0x10] =	vst v3  }
0x108: {  	v3 =	vld [tilespmem:s16+$0x20];
	_ =	sdelay $0x4  }
0x109: {  	v4 =	vsub.s32 v3, v0  }
0x10a: {  	v3 =	vand.u32 $0x7FF, v3;
	vm0 =	vlt.s32 v4, $0x800  }
0x10b: {  	v4 =	vsel vm0, v3, v4  }
0x10c: {  	v3 =	vor.u32 $0x100800, v3;
	vm0 =	vgt.s32 v4, $0x1007FF  }
0x10d: {  	v3 =	vsel vm0, v3, v4  }
0x10e: {  	[tilespmem:s17+$0x20] =	vst v3  }
0x10f: {  	v3 =	vld [tilespmem:s16+$0x30];
	_ =	sdelay $0x4  }
.Ltmp5:
0x110: {  	v4 =	vsub.s32 v3, v0;
	(pc) =	sbr.rel @p3 .LBB2_12-.Ltmp5, $4  }
0x111: {  	v3 =	vand.u32 $0x7FF, v3;
	vm0 =	vlt.s32 v4, $0x800  }
0x112: {  	v4 =	vsel vm0, v3, v4  }
0x113: {  	v3 =	vor.u32 $0x100800, v3;
	vm0 =	vgt.s32 v4, $0x1007FF  }
0x114: {  	v3 =	vsel vm0, v3, v4  }
0x115: {  	p3 =	sne.s32 s14, $0x1F  }
.Ltmp6:
0x116: {  	_ = 	snop;
	(pc) =	sbr.rel @p3 .LBB2_15-.Ltmp6, $3  }
0x117: {  	_ =	sdelay $0x1  }
0x118: {  	[tilespmem:s17+$0x30] =	vst v3  }
0x119: {  	[spmem:s3] =	stream.indirect.scatter.add.f32 [tilespmem:s11], [sflag:$0x3], $0x1, s10, s1, $0xb8;
	[tilespmem:$0x1C280] =	vst v63  }
.Ltmp7:
0x11a: {  	(pc) =	sbr.rel .LBB2_16-.Ltmp7, $4  }
0x11b: {  	_ = 	snop  }
0x11c: {  	_ =	swait.ge [sflag:s6], $0x2000  }
0x11d: {  	[sflag:s6] =	ssyncset.done $0x0  }
0x11e: {  	[sflag:s6] =	ssyncadd.s32 $0xFFFFE000  }
.LBB2_15:
0x11f: {  	s15 =	sadd.s32 s15, s25  }
0x120: {  	s15 =	sshrl.u32 s15, $0x3  }
.Ltmp8:
0x121: {  	s15 =	sadd.s32 s0, s15;
	(pc) =	sbr.rel @p2 .LBB2_17-.Ltmp8, $4  }
0x122: {  	[tilespmem:s1], [sflag:$0x2] =	stream.linear.gather [hbm4b:s15+s4], $0x2000, $0x38;
	[tilespmem:$0x1C280] =	vst v63  }
0x123: {  	_ =	swait.ge [sflag:s6], $0x2000  }
0x124: {  	[sflag:s6] =	ssyncset.done $0x0  }
0x125: {  	[sflag:s6] =	ssyncadd.s32 $0xFFFFE000  }
.LBB2_16:
0x126: {  	_ =	swait.ge [sflag:s12], $0x2000  }
0x127: {  	[sflag:s12] =	ssyncset.done $0x0  }
0x128: {  	[sflag:s12] =	ssyncadd.s32 $0xFFFFE000  }
.LBB2_17:
0x129: {  	s15 =	simm.s32 $0x4040  }
0x12a: {  	v3 =	vld [tilespmem:s15+$0xFFFFFFC0];
	_ =	sdelay $0x4  }
0x12b: {  	v4 =	vsub.s32 v3, v0  }
0x12c: {  	v3 =	vand.u32 $0x7FF, v3;
	vm0 =	vlt.s32 v4, $0x800  }
0x12d: {  	v4 =	vsel vm0, v3, v4  }
0x12e: {  	v3 =	vor.u32 $0x100800, v3;
	vm0 =	vgt.s32 v4, $0x1007FF  }
0x12f: {  	s16 =	simm.s32 $0x8040;
	v3 =	vsel vm0, v3, v4  }
0x130: {  	[tilespmem:s16+$0xFFFFFFC0] =	vst v3  }
0x131: {  	v3 =	vld [tilespmem:s15+$0xFFFFFFD0];
	_ =	sdelay $0x4  }
0x132: {  	v4 =	vsub.s32 v3, v0  }
0x133: {  	v3 =	vand.u32 $0x7FF, v3;
	vm9 =	vlt.s32 v4, $0x800  }
0x134: {  	v4 =	vsel vm9, v3, v4  }
0x135: {  	v3 =	vor.u32 $0x100800, v3;
	vm0 =	vgt.s32 v4, $0x1007FF  }
0x136: {  	v3 =	vsel vm0, v3, v4  }
0x137: {  	[tilespmem:s16+$0xFFFFFFD0] =	vst v3  }
0x138: {  	v3 =	vld [tilespmem:s15+$0xFFFFFFE0];
	_ =	sdelay $0x4  }
0x139: {  	v4 =	vsub.s32 v3, v0  }
0x13a: {  	v3 =	vand.u32 $0x7FF, v3;
	vm10 =	vlt.s32 v4, $0x800  }
0x13b: {  	v4 =	vsel vm10, v3, v4  }
0x13c: {  	v3 =	vor.u32 $0x100800, v3;
	vm0 =	vgt.s32 v4, $0x1007FF  }
0x13d: {  	v3 =	vsel vm0, v3, v4  }
0x13e: {  	[tilespmem:s16+$0xFFFFFFE0] =	vst v3  }
0x13f: {  	v3 =	vld [tilespmem:s15+$0xFFFFFFF0];
	_ =	sdelay $0x4  }
0x140: {  	v4 =	vsub.s32 v3, v0  }
0x141: {  	v3 =	vand.u32 $0x7FF, v3;
	vm11 =	vlt.s32 v4, $0x800  }
0x142: {  	v4 =	vsel vm11, v3, v4  }
0x143: {  	v3 =	vor.u32 $0x100800, v3;
	vm0 =	vgt.s32 v4, $0x1007FF  }
0x144: {  	v3 =	vsel vm0, v3, v4  }
0x145: {  	[tilespmem:s16+$0xFFFFFFF0] =	vst v3  }
0x146: {  	v3 =	vld [tilespmem:s15+$0x0];
	_ =	sdelay $0x4  }
0x147: {  	v4 =	vsub.s32 v3, v0  }
0x148: {  	v3 =	vand.u32 $0x7FF, v3;
	vm12 =	vlt.s32 v4, $0x800  }
0x149: {  	v4 =	vsel vm12, v3, v4  }
0x14a: {  	v3 =	vor.u32 $0x100800, v3;
	vm0 =	vgt.s32 v4, $0x1007FF  }
0x14b: {  	v3 =	vsel vm0, v3, v4  }
0x14c: {  	[tilespmem:s16+$0x0] =	vst v3  }
0x14d: {  	v3 =	vld [tilespmem:s15+$0x10];
	_ =	sdelay $0x4  }
0x14e: {  	v4 =	vsub.s32 v3, v0  }
0x14f: {  	v3 =	vand.u32 $0x7FF, v3;
	vm13 =	vlt.s32 v4, $0x800  }
0x150: {  	v4 =	vsel vm13, v3, v4  }
0x151: {  	v3 =	vor.u32 $0x100800, v3;
	vm0 =	vgt.s32 v4, $0x1007FF  }
0x152: {  	v3 =	vsel vm0, v3, v4  }
0x153: {  	[tilespmem:s16+$0x10] =	vst v3  }
0x154: {  	v3 =	vld [tilespmem:s15+$0x20];
	_ =	sdelay $0x4  }
0x155: {  	v4 =	vsub.s32 v3, v0  }
0x156: {  	v3 =	vand.u32 $0x7FF, v3;
	vm14 =	vlt.s32 v4, $0x800  }
0x157: {  	v4 =	vsel vm14, v3, v4  }
0x158: {  	v3 =	vor.u32 $0x100800, v3;
	vm0 =	vgt.s32 v4, $0x1007FF  }
0x159: {  	v3 =	vsel vm0, v3, v4  }
0x15a: {  	[tilespmem:s16+$0x20] =	vst v3  }
0x15b: {  	v3 =	vld [tilespmem:s15+$0x30];
	_ =	sdelay $0x4  }
0x15c: {  	v4 =	vsub.s32 v3, v0  }
0x15d: {  	v3 =	vand.u32 $0x7FF, v3;
	vm15 =	vlt.s32 v4, $0x800  }
0x15e: {  	v4 =	vsel vm15, v3, v4  }
0x15f: {  	v3 =	vor.u32 $0x100800, v3;
	vm0 =	vgt.s32 v4, $0x1007FF  }
0x160: {  	s17 =	simm.s32 $0x0;
	v3 =	vsel vm0, v3, v4  }
.LBB2_18:
0x161: {  	s17 =	sadd.s32 $0x8, s17;
	[tilespmem:s16+$0x30] =	vst v3;
	s15 =	sadd.s32 $0x80, s15;
	s16 =	sadd.s32 $0x80, s16  }
0x162: {  	v3 =	vld [tilespmem:s15+$0xFFFFFFC0];
	p2 =	slt.u32 s17, $0x1F8;
	_ =	sdelay $0x4  }
0x163: {  	v4 =	vsub.s32 v3, v0  }
0x164: {  	v3 =	vand.u32 $0x7FF, v3;
	vm0 =	vlt.s32 v4, $0x800  }
0x165: {  	v4 =	vsel vm0, v3, v4  }
0x166: {  	v3 =	vor.u32 $0x100800, v3;
	vm0 =	vgt.s32 v4, $0x1007FF  }
0x167: {  	v3 =	vsel vm0, v3, v4  }
0x168: {  	[tilespmem:s16+$0xFFFFFFC0] =	vst v3  }
0x169: {  	v3 =	vld [tilespmem:s15+$0xFFFFFFD0];
	_ =	sdelay $0x4  }
0x16a: {  	v4 =	vsub.s32 v3, v0  }
0x16b: {  	v3 =	vand.u32 $0x7FF, v3;
	vm0 =	vlt.s32 v4, $0x800  }
0x16c: {  	v4 =	vsel vm0, v3, v4  }
0x16d: {  	v3 =	vor.u32 $0x100800, v3;
	vm0 =	vgt.s32 v4, $0x1007FF  }
0x16e: {  	v3 =	vsel vm0, v3, v4  }
0x16f: {  	[tilespmem:s16+$0xFFFFFFD0] =	vst v3  }
0x170: {  	v3 =	vld [tilespmem:s15+$0xFFFFFFE0];
	_ =	sdelay $0x4  }
0x171: {  	v4 =	vsub.s32 v3, v0  }
0x172: {  	v3 =	vand.u32 $0x7FF, v3;
	vm0 =	vlt.s32 v4, $0x800  }
0x173: {  	v4 =	vsel vm0, v3, v4  }
0x174: {  	v3 =	vor.u32 $0x100800, v3;
	vm0 =	vgt.s32 v4, $0x1007FF  }
0x175: {  	v3 =	vsel vm0, v3, v4  }
0x176: {  	[tilespmem:s16+$0xFFFFFFE0] =	vst v3  }
0x177: {  	v3 =	vld [tilespmem:s15+$0xFFFFFFF0];
	_ =	sdelay $0x4  }
0x178: {  	v4 =	vsub.s32 v3, v0  }
0x179: {  	v3 =	vand.u32 $0x7FF, v3;
	vm0 =	vlt.s32 v4, $0x800  }
0x17a: {  	v4 =	vsel vm0, v3, v4  }
0x17b: {  	v3 =	vor.u32 $0x100800, v3;
	vm0 =	vgt.s32 v4, $0x1007FF  }
0x17c: {  	v3 =	vsel vm0, v3, v4  }
0x17d: {  	[tilespmem:s16+$0xFFFFFFF0] =	vst v3  }
0x17e: {  	v3 =	vld [tilespmem:s15+$0x0];
	_ =	sdelay $0x4  }
0x17f: {  	v4 =	vsub.s32 v3, v0  }
0x180: {  	v3 =	vand.u32 $0x7FF, v3;
	vm0 =	vlt.s32 v4, $0x800  }
0x181: {  	v4 =	vsel vm0, v3, v4  }
0x182: {  	v3 =	vor.u32 $0x100800, v3;
	vm0 =	vgt.s32 v4, $0x1007FF  }
0x183: {  	v3 =	vsel vm0, v3, v4  }
0x184: {  	[tilespmem:s16+$0x0] =	vst v3  }
0x185: {  	v3 =	vld [tilespmem:s15+$0x10];
	_ =	sdelay $0x4  }
0x186: {  	v4 =	vsub.s32 v3, v0  }
0x187: {  	v3 =	vand.u32 $0x7FF, v3;
	vm0 =	vlt.s32 v4, $0x800  }
0x188: {  	v4 =	vsel vm0, v3, v4  }
0x189: {  	v3 =	vor.u32 $0x100800, v3;
	vm0 =	vgt.s32 v4, $0x1007FF  }
0x18a: {  	v3 =	vsel vm0, v3, v4  }
0x18b: {  	[tilespmem:s16+$0x10] =	vst v3  }
0x18c: {  	v3 =	vld [tilespmem:s15+$0x20];
	_ =	sdelay $0x4  }
0x18d: {  	v4 =	vsub.s32 v3, v0  }
0x18e: {  	v3 =	vand.u32 $0x7FF, v3;
	vm0 =	vlt.s32 v4, $0x800  }
0x18f: {  	v4 =	vsel vm0, v3, v4  }
0x190: {  	v3 =	vor.u32 $0x100800, v3;
	vm0 =	vgt.s32 v4, $0x1007FF  }
0x191: {  	v3 =	vsel vm0, v3, v4  }
0x192: {  	[tilespmem:s16+$0x20] =	vst v3  }
0x193: {  	v3 =	vld [tilespmem:s15+$0x30];
	_ =	sdelay $0x4  }
.Ltmp9:
0x194: {  	v4 =	vsub.s32 v3, v0;
	(pc) =	sbr.rel @p2 .LBB2_18-.Ltmp9, $4  }
0x195: {  	v3 =	vand.u32 $0x7FF, v3;
	vm0 =	vlt.s32 v4, $0x800  }
0x196: {  	v4 =	vsel vm0, v3, v4  }
0x197: {  	v3 =	vor.u32 $0x100800, v3;
	vm0 =	vgt.s32 v4, $0x1007FF  }
0x198: {  	v3 =	vsel vm0, v3, v4  }
0x199: {  	s14 =	sadd.s32 $0x1, s14  }
0x19a: {  	p2 =	sne.s32 s14, $0x20  }
.Ltmp10:
0x19b: {  	_ = 	snop;
	(pc) =	sbr.rel @p2 .LBB2_11-.Ltmp10, $3  }
0x19c: {  	_ =	sdelay $0x1  }
0x19d: {  	[tilespmem:s16+$0x30] =	vst v3  }
0x19e: {  	[spmem:s3] =	stream.indirect.scatter.add.f32 [tilespmem:s11], [sflag:$0x3], $0x1, s5, s1, $0xb8;
	[tilespmem:$0x1C280] =	vst v63  }
0x19f: {  	_ =	swait.ge [sflag:s12], $0x2000  }
0x1a0: {  	[sflag:s12] =	ssyncset.done $0x0  }
0x1a1: {  	[sflag:s12] =	ssyncadd.s32 $0xFFFFE000  }
0x1a2: {  	_ =	swait.ge [sflag:s12], $0x2000  }
0x1a3: {  	[sflag:s12] =	ssyncset.done $0x0  }
0x1a4: {  	[sflag:s12] =	ssyncadd.s32 $0xFFFFE000  }
0x1a5: {  	s14 =	sshll.u32 s19, $0x6;
	[bflag:$0x0] =	sbarrier.arrive $0xFFFF  }
0x1a6: {  	s15 =	sshrl.u32 s8, $0x3;
	s14 =	sor.u32 $0x1C04, s14;
	s16 =	rddreg [dreg:$0xe]  }
0x1a7: {  	[hbm:s16], [sflag:s14] =	dma.local [spmem:s15], $0x2000  }
0x1a8: {  	_ =	swait.ge [sflag:s26], $0x2000  }
0x1a9: {  	s9 =	sadd.s32 $0x1, s9;
	s18 =	rddreg [dreg:$0xf]  }
0x1aa: {  	p2 =	sne.s32 s9, s18  }
.Ltmp11:
0x1ab: {  	_ = 	snop;
	(pc) =	sbr.rel @p2 .LBB2_1-.Ltmp11, $3  }
0x1ac: {  	_ =	sdelay $0x1  }
0x1ad: {  	[sflag:s26] =	ssyncset.done $0x0  }
0x1ae: {  	[sflag:s26] =	ssyncadd.s32 $0xFFFFE000  }
0x1af: {  	_ =	sfence.sel $0x180000  }
0x1b0: {  	[bflag:$0x0] =	sbarrier.arrive $0xFFFF  }
0x1b1: {  	_ =	strace $0x90000047  }
0x1b2: {  	[bflag:$0x2] =	sbarrier.arrive $0xFFFF  }
0x1b3: {  	p0 =	sne.s32 s19, $0x0;
	s0 =	rddreg [dreg:$0x7]  }
0x1b4: {  	s0 =	sadd.s32 @!p0 $0x100000, s0  }
0x1b5: {  	[sflag:s0] =	ssyncadd.tile.s32 @!p0 $0x1;
	_ =	shalt  }
.Lfunc_end2:
_tile_overlayer_lowered:
.L_overlay_start_2:
0x1b6: {  	(tag) =	ssettag $0x2  }
0x1b7: {  	s0 =	rddreg [dreg:$0x0];
	s2 =	stileid.u32  }
0x1b8: {  	s1 =	rddreg [dreg:$0x1];
	p0 =	sne.s32 s2, $0x0  }
0x1b9: {  	s3 =	rddreg [dreg:$0x2];
	[bflag:$0x3] =	sbarrier.arrive $0xFFFF;
	s2 =	simm.s32 @!p0 $0x1C04  }
0x1ba: {  	[timem:s3], [sflag:s2] =	dma.local @!p0 [hbm:s0], s1  }
0x1bb: {  	s0 =	simm.s32 @!p0 $0x4  }
0x1bc: {  	_ =	swait.ge @!p0 [sflag:s0], s1  }
0x1bd: {  	s1 =	ssub.s32 @!p0 $0x0, s1;
	[sflag:s0] =	ssyncset.done @!p0 $0x0  }
0x1be: {  	[sflag:s0] =	ssyncadd.s32 @!p0 s1  }
0x1bf: {  	[bflag:$0x3] =	sbarrier.arrive $0xFFFF  }
0x1c0: {  	_ =	shalt  }

</sc_bundles>
